<compile_context>
chip_gen: v7x
topology: tpu7x:2x2x1
jax: 0.10.2.dev20260603
libtpu: 0.0.44.dev20260713+nightly
codegen_flags: <defaults>
</compile_context>

<pallas_src>
import functools

import jax
import jax.numpy as jnp
from jax import lax
from jax.experimental import pallas as pl
from jax.experimental.pallas import tpu as pltpu
from jax.experimental.pallas import tpu_sc as plsc

N = 10000
NP = 10240
E = 320000
H = 128
NC = 2
NS = 16
NW = NC * NS
EW = E // NW
CHUNK = 125
CHUNKS = EW // CHUNK
NBUF = 4
RPT = NP // NS
NB = 128
NBT = NB // NS


def _mesh():
    return plsc.VectorSubcoreMesh(core_axis_name="c", subcore_axis_name="s")


def _agg_body(ys_hbm, src3_hbm, dst3_hbm, zeros_hbm, out_hbm,
              isrc_v, idst_v, rows_v, acc):
    c = lax.axis_index("c")
    s = lax.axis_index("s")
    w = c * NS + s
    pltpu.sync_copy(zeros_hbm.at[pl.ds(s * RPT, RPT)],
                    acc.at[pl.ds(s * RPT, RPT)])
    pltpu.sync_copy(src3_hbm.at[w], isrc_v)
    pltpu.sync_copy(dst3_hbm.at[w], idst_v)
    plsc.subcore_barrier()

    @pl.loop(0, CHUNKS)
    def _(k):
        pltpu.sync_copy(ys_hbm.at[isrc_v.at[k]], rows_v)
        pltpu.sync_copy(rows_v, acc.at[idst_v.at[k]], add=True)

    plsc.subcore_barrier()
    pltpu.sync_copy(acc.at[pl.ds(s * RPT, RPT)],
                    out_hbm.at[c, pl.ds(s * RPT, RPT)])


def _sc_agg(ys, src3, dst3, zeros):
    k = pl.kernel(
        _agg_body,
        out_type=jax.ShapeDtypeStruct((NC, NP, H), jnp.float32),
        mesh=_mesh(),
        scratch_types=[
            pltpu.VMEM((CHUNKS, CHUNK), jnp.int32),
            pltpu.VMEM((CHUNKS, CHUNK), jnp.int32),
            pltpu.VMEM((CHUNK, H), jnp.float32),
            pltpu.VMEM_SHARED((NP, H), jnp.float32),
        ],
    )
    return k(ys, src3, dst3, zeros)


def _elu(x):
    return jnp.where(x > 0, x, jnp.exp(jnp.minimum(x, 0.0)) - 1.0)


def _tc_in_body(ctrl_ref, win_ref, bin_ref, lng_ref, lnb_ref, w1_ref, deg_ref,
                ys1_ref, dinv_ref):
    x = ctrl_ref[...] * win_ref[...] + bin_ref[...]
    m = jnp.mean(x, axis=-1, keepdims=True)
    v = jnp.mean((x - m) ** 2, axis=-1, keepdims=True)
    x = (x - m) * lax.rsqrt(v + 1e-5) * lng_ref[...] + lnb_ref[...]
    x = _elu(x)
    dinv = lax.rsqrt(deg_ref[0] + deg_ref[1] + 1.0)
    dinv_ref[...] = dinv
    ys1_ref[...] = jnp.dot(x, w1_ref[...],
                           preferred_element_type=jnp.float32) * dinv


def _tc_input(ctrl_col, W_in, b_in2, ln_g2, ln_b2, W1, degcol):
    return pl.pallas_call(
        _tc_in_body,
        out_shape=[jax.ShapeDtypeStruct((N, H), jnp.float32),
                   jax.ShapeDtypeStruct((N, 1), jnp.float32)],
    )(ctrl_col, W_in, b_in2, ln_g2, ln_b2, W1, degcol)


def _tc_mid_body(parts_ref, ys_ref, dinv_ref, b_ref, g_ref, be_ref, w_ref,
                 ysn_ref):
    dinv = dinv_ref[...]
    z = (parts_ref[0] + parts_ref[1] + ys_ref[...]) * dinv + b_ref[...]
    m = jnp.mean(z, axis=0, keepdims=True)
    v = jnp.mean((z - m) ** 2, axis=0, keepdims=True)
    x = _elu((z - m) * lax.rsqrt(v + 1e-5) * g_ref[...] + be_ref[...])
    ysn_ref[...] = jnp.dot(x, w_ref[...],
                           preferred_element_type=jnp.float32) * dinv


def _tc_mid(parts, ys, dinv, b2d, g2d, be2d, Wn):
    return pl.pallas_call(
        _tc_mid_body,
        out_shape=jax.ShapeDtypeStruct((N, H), jnp.float32),
    )(parts, ys, dinv, b2d, g2d, be2d, Wn)


def _tc_out_body(parts_ref, ys_ref, dinv_ref, b_ref, g_ref, be_ref, wh_ref,
                 bh_ref, out_ref):
    z = (parts_ref[0] + parts_ref[1] + ys_ref[...]) * dinv_ref[...] + b_ref[...]
    m = jnp.mean(z, axis=0, keepdims=True)
    v = jnp.mean((z - m) ** 2, axis=0, keepdims=True)
    x = _elu((z - m) * lax.rsqrt(v + 1e-5) * g_ref[...] + be_ref[...])
    out_ref[...] = jnp.dot(x, wh_ref[...],
                           preferred_element_type=jnp.float32) + bh_ref[...]


def _tc_out(parts, ys, dinv, b2d, g2d, be2d, W_head, bh2d):
    return pl.pallas_call(
        _tc_out_body,
        out_shape=jax.ShapeDtypeStruct((N, 1), jnp.float32),
    )(parts, ys, dinv, b2d, g2d, be2d, W_head, bh2d)


def kernel(ctrl_expr, W_in, b_in, ln_g, ln_b, W1, b1, g1, be1, W2, b2, g2,
           be2, W3, b3, g3, be3, W_head, b_head, edge_index):
    src3 = edge_index[0].reshape(NW, CHUNKS, CHUNK)
    dst3 = edge_index[1].reshape(NW, CHUNKS, CHUNK)
    zeros = jnp.zeros((NP, H), jnp.float32)

    degp = _sc_agg(jnp.ones((N, H), jnp.float32), src3, dst3, zeros)
    degcol = degp[:, :N, 0:1]

    row = lambda a: a.reshape(1, -1)
    ys1, dinv = _tc_input(ctrl_expr.reshape(N, 1), W_in, row(b_in),
                          row(ln_g), row(ln_b), W1, degcol)
    p1 = _sc_agg(ys1, src3, dst3, zeros)[:, :N]
    ys2 = _tc_mid(p1, ys1, dinv, row(b1), row(g1), row(be1), W2)
    p2 = _sc_agg(ys2, src3, dst3, zeros)[:, :N]
    ys3 = _tc_mid(p2, ys2, dinv, row(b2), row(g2), row(be2), W3)
    p3 = _sc_agg(ys3, src3, dst3, zeros)[:, :N]
    out = _tc_out(p3, ys3, dinv, row(b3), row(g3), row(be3), W_head,
                  b_head.reshape(1, 1))
    return out.reshape(N)

# --- scband reference (transcript-rebuilt; emitter-appended) ---
"""Pipeline reference for scband-turbo-gcn-8881992368458 (READ-ONLY COPY).

The authoritative reference and input builder live on the scoring server;
editing this copy changes nothing except your own understanding.
"""

import jax, jax.numpy as jnp
import numpy as np

N = 10000
E = 320000
H = 128


def _layernorm(x, g, b, eps=1e-5):
    m = jnp.mean(x, axis=-1, keepdims=True)
    v = jnp.var(x, axis=-1, keepdims=True)
    return (x - m) / jnp.sqrt(v + eps) * g + b


def _batchnorm(x, g, b, eps=1e-5):
    m = jnp.mean(x, axis=0)
    v = jnp.var(x, axis=0)
    return (x - m) / jnp.sqrt(v + eps) * g + b


def _gcn_conv(x, src, dst, W, b):
    # GCNConv: x' = D^{-1/2} (A + I) D^{-1/2} x W + b
    x = x @ W
    loop = jnp.arange(N, dtype=src.dtype)
    s = jnp.concatenate([src, loop])
    d = jnp.concatenate([dst, loop])
    deg = jnp.zeros((N,), x.dtype).at[d].add(1.0)
    dinv = jnp.where(deg > 0, deg ** -0.5, 0.0)
    norm = dinv[s] * dinv[d]
    msg = x[s] * norm[:, None]
    out = jnp.zeros((N, x.shape[1]), x.dtype).at[d].add(msg)
    return out + b


def setup_inputs(seed: int = 0):
    key = jax.random.key(seed)
    ks = jax.random.split(key, 16)

    def w(k, shape, fan_in):
        return jax.random.normal(k, shape, jnp.float32) / np.sqrt(fan_in)

    inp = {
        "ctrl_expr": jax.random.normal(ks[0], (N,), jnp.float32),
        "W_in": w(ks[1], (1, H), 1),
        "b_in": jnp.zeros((H,), jnp.float32),
        "ln_g": jnp.ones((H,), jnp.float32),
        "ln_b": jnp.zeros((H,), jnp.float32),
        "W1": w(ks[2], (H, H), H),
        "b1": jnp.zeros((H,), jnp.float32),
        "g1": jnp.ones((H,), jnp.float32),
        "be1": jnp.zeros((H,), jnp.float32),
        "W2": w(ks[3], (H, H), H),
        "b2": jnp.zeros((H,), jnp.float32),
        "g2": jnp.ones((H,), jnp.float32),
        "be2": jnp.zeros((H,), jnp.float32),
        "W3": w(ks[4], (H, H), H),
        "b3": jnp.zeros((H,), jnp.float32),
        "g3": jnp.ones((H,), jnp.float32),
        "be3": jnp.zeros((H,), jnp.float32),
        "W_head": w(ks[5], (H, 1), H),
        "b_head": jnp.zeros((1,), jnp.float32),
        "edge_index": jax.random.randint(ks[6], (2, E), 0, N, dtype=jnp.int32),
    }
    return inp


def reference(ctrl_expr, W_in, b_in, ln_g, ln_b, W1, b1, g1, be1, W2, b2, g2, be2, W3, b3, g3, be3, W_head, b_head, edge_index):
    src, dst = edge_index[0], edge_index[1]
    x = ctrl_expr[:, None] @ W_in + b_in
    x = jax.nn.elu(_layernorm(x, ln_g, ln_b))
    x = jax.nn.elu(_batchnorm(_gcn_conv(x, src, dst, W1, b1), g1, be1))
    x = jax.nn.elu(_batchnorm(_gcn_conv(x, src, dst, W2, b2), g2, be2))
    x = jax.nn.elu(_batchnorm(_gcn_conv(x, src, dst, W3, b3), g3, be3))
    return (x @ W_head + b_head)[:, 0]

if __name__ == "__main__":
    import jax
    _d = setup_inputs()
    print(jax.jit(kernel)(*tuple(_d.values())))

</pallas_src>

<mosaic_0001>
#map = affine_map<(d0, d1) -> (0, 0)>
#map1 = affine_map<(d0, d1) -> (0, 0, 0)>
module attributes {stable_mosaic.version = 14 : i64} {
  func.func @_agg_body(%arg0: i32, %arg1: i32, %arg2: memref<10000x128xf32, #tpu.memory_space<hbm>>, %arg3: memref<32x80x125xi32, #tpu.memory_space<hbm>>, %arg4: memref<32x80x125xi32, #tpu.memory_space<hbm>>, %arg5: memref<10240x128xf32, #tpu.memory_space<hbm>>, %arg6: memref<2x10240x128xf32, #tpu.memory_space<hbm>>, %arg7: memref<80x125xi32, #tpu.memory_space<vmem>>, %arg8: memref<80x125xi32, #tpu.memory_space<vmem>>, %arg9: memref<125x128xf32, #tpu.memory_space<vmem>>, %arg10: memref<10240x128xf32, #tpu.memory_space<vmem_shared>>) attributes {dimension_semantics = [#tpu.dimension_semantics<core_parallel>, #tpu.dimension_semantics<subcore_parallel>], iteration_bounds = array<i64: 2, 16>, scalar_prefetch = 0 : i64, scratch_operands = 4 : i64, tpu.core_type = #tpu.core_type<sc_vector_subcore>, window_params = [{transform_indices = #map}, {transform_indices = #map1}, {transform_indices = #map1}, {transform_indices = #map}, {transform_indices = #map1}]} {
    %mul3A = arith.constant 16 : i32
    %mul3A_0 = arith.muli %arg0, %mul3A : i32
    %add3A = arith.addi %mul3A_0, %arg1 : i32
    %mul3A_1 = arith.constant 640 : i32
    %mul3A_2 = arith.muli %arg1, %mul3A_1 : i32
    %mul3A_3 = arith.constant 640 : i32
    %mul3A_4 = arith.muli %arg1, %mul3A_3 : i32
    "tpu.region"() ({
      %run_scoped3A = tpu.sem_alloc : memref<!tpu.dma_semaphore, #tpu.memory_space<semaphore_mem>>
      %dma_start3A = arith.constant 0 : i32
      %dma_start3A_14 = tpu.memref_slice %arg10[%mul3A_4, %dma_start3A] : memref<10240x128xf32, #tpu.memory_space<vmem_shared>> -> memref<640x128xf32, #tpu.memory_space<vmem_shared>>
      %dma_start3A_15 = arith.constant 0 : i32
      %dma_start3A_16 = tpu.memref_slice %arg5[%mul3A_2, %dma_start3A_15] : memref<10240x128xf32, #tpu.memory_space<hbm>> -> memref<640x128xf32, #tpu.memory_space<hbm>>
      tpu.enqueue_dma source(%dma_start3A_16 : memref<640x128xf32, #tpu.memory_space<hbm>>) target(%dma_start3A_14 : memref<640x128xf32, #tpu.memory_space<vmem_shared>>) target_semaphore(%run_scoped3A : memref<!tpu.dma_semaphore, #tpu.memory_space<semaphore_mem>>)
      %dma_wait3A = arith.constant 0 : i32
      %dma_wait3A_17 = tpu.memref_slice %arg10[%mul3A_4, %dma_wait3A] : memref<10240x128xf32, #tpu.memory_space<vmem_shared>> -> memref<640x128xf32, #tpu.memory_space<vmem_shared>>
      %dma_wait3A_18 = arith.constant 0 : i32
      %dma_wait3A_19 = tpu.memref_slice %arg5[%mul3A_2, %dma_wait3A_18] : memref<10240x128xf32, #tpu.memory_space<hbm>> -> memref<640x128xf32, #tpu.memory_space<hbm>>
      tpu.wait_dma2 semaphore(%run_scoped3A : memref<!tpu.dma_semaphore, #tpu.memory_space<semaphore_mem>>) src(%dma_wait3A_19 : memref<640x128xf32, #tpu.memory_space<hbm>>) dst(%dma_wait3A_17 : memref<640x128xf32, #tpu.memory_space<vmem_shared>>)
      tpu.yield
    }) : () -> ()
    "tpu.region"() ({
      %run_scoped3A = tpu.sem_alloc : memref<!tpu.dma_semaphore, #tpu.memory_space<semaphore_mem>>
      %dma_start3A = arith.constant 0 : i32
      %dma_start3A_14 = arith.constant 0 : i32
      %dma_start3A_15 = tpu.memref_slice %arg3[%add3A, %dma_start3A, %dma_start3A_14] : memref<32x80x125xi32, #tpu.memory_space<hbm>> -> memref<1x80x125xi32, #tpu.memory_space<hbm>>
      %dma_start3A_16 = tpu.memref_squeeze %dma_start3A_15 : memref<1x80x125xi32, #tpu.memory_space<hbm>> -> memref<80x125xi32, #tpu.memory_space<hbm>>
      %dma_start3A_17 = arith.constant 0 : i32
      %dma_start3A_18 = arith.constant 0 : i32
      %dma_start3A_19 = tpu.memref_slice %arg3[%add3A, %dma_start3A_17, %dma_start3A_18] : memref<32x80x125xi32, #tpu.memory_space<hbm>> -> memref<1x80x125xi32, #tpu.memory_space<hbm>>
      %dma_start3A_20 = tpu.memref_squeeze %dma_start3A_19 : memref<1x80x125xi32, #tpu.memory_space<hbm>> -> memref<80x125xi32, #tpu.memory_space<hbm>>
      tpu.enqueue_dma source(%dma_start3A_20 : memref<80x125xi32, #tpu.memory_space<hbm>>) target(%arg7 : memref<80x125xi32, #tpu.memory_space<vmem>>) target_semaphore(%run_scoped3A : memref<!tpu.dma_semaphore, #tpu.memory_space<semaphore_mem>>)
      %dma_wait3A = arith.constant 0 : i32
      %dma_wait3A_21 = arith.constant 0 : i32
      %dma_wait3A_22 = tpu.memref_slice %arg3[%add3A, %dma_wait3A, %dma_wait3A_21] : memref<32x80x125xi32, #tpu.memory_space<hbm>> -> memref<1x80x125xi32, #tpu.memory_space<hbm>>
      %dma_wait3A_23 = tpu.memref_squeeze %dma_wait3A_22 : memref<1x80x125xi32, #tpu.memory_space<hbm>> -> memref<80x125xi32, #tpu.memory_space<hbm>>
      %dma_wait3A_24 = arith.constant 0 : i32
      %dma_wait3A_25 = arith.constant 0 : i32
      %dma_wait3A_26 = tpu.memref_slice %arg3[%add3A, %dma_wait3A_24, %dma_wait3A_25] : memref<32x80x125xi32, #tpu.memory_space<hbm>> -> memref<1x80x125xi32, #tpu.memory_space<hbm>>
      %dma_wait3A_27 = tpu.memref_squeeze %dma_wait3A_26 : memref<1x80x125xi32, #tpu.memory_space<hbm>> -> memref<80x125xi32, #tpu.memory_space<hbm>>
      tpu.wait_dma2 semaphore(%run_scoped3A : memref<!tpu.dma_semaphore, #tpu.memory_space<semaphore_mem>>) src(%dma_wait3A_27 : memref<80x125xi32, #tpu.memory_space<hbm>>) dst(%arg7 : memref<80x125xi32, #tpu.memory_space<vmem>>)
      tpu.yield
    }) : () -> ()
    "tpu.region"() ({
      %run_scoped3A = tpu.sem_alloc : memref<!tpu.dma_semaphore, #tpu.memory_space<semaphore_mem>>
      %dma_start3A = arith.constant 0 : i32
      %dma_start3A_14 = arith.constant 0 : i32
      %dma_start3A_15 = tpu.memref_slice %arg4[%add3A, %dma_start3A, %dma_start3A_14] : memref<32x80x125xi32, #tpu.memory_space<hbm>> -> memref<1x80x125xi32, #tpu.memory_space<hbm>>
      %dma_start3A_16 = tpu.memref_squeeze %dma_start3A_15 : memref<1x80x125xi32, #tpu.memory_space<hbm>> -> memref<80x125xi32, #tpu.memory_space<hbm>>
      %dma_start3A_17 = arith.constant 0 : i32
      %dma_start3A_18 = arith.constant 0 : i32
      %dma_start3A_19 = tpu.memref_slice %arg4[%add3A, %dma_start3A_17, %dma_start3A_18] : memref<32x80x125xi32, #tpu.memory_space<hbm>> -> memref<1x80x125xi32, #tpu.memory_space<hbm>>
      %dma_start3A_20 = tpu.memref_squeeze %dma_start3A_19 : memref<1x80x125xi32, #tpu.memory_space<hbm>> -> memref<80x125xi32, #tpu.memory_space<hbm>>
      tpu.enqueue_dma source(%dma_start3A_20 : memref<80x125xi32, #tpu.memory_space<hbm>>) target(%arg8 : memref<80x125xi32, #tpu.memory_space<vmem>>) target_semaphore(%run_scoped3A : memref<!tpu.dma_semaphore, #tpu.memory_space<semaphore_mem>>)
      %dma_wait3A = arith.constant 0 : i32
      %dma_wait3A_21 = arith.constant 0 : i32
      %dma_wait3A_22 = tpu.memref_slice %arg4[%add3A, %dma_wait3A, %dma_wait3A_21] : memref<32x80x125xi32, #tpu.memory_space<hbm>> -> memref<1x80x125xi32, #tpu.memory_space<hbm>>
      %dma_wait3A_23 = tpu.memref_squeeze %dma_wait3A_22 : memref<1x80x125xi32, #tpu.memory_space<hbm>> -> memref<80x125xi32, #tpu.memory_space<hbm>>
      %dma_wait3A_24 = arith.constant 0 : i32
      %dma_wait3A_25 = arith.constant 0 : i32
      %dma_wait3A_26 = tpu.memref_slice %arg4[%add3A, %dma_wait3A_24, %dma_wait3A_25] : memref<32x80x125xi32, #tpu.memory_space<hbm>> -> memref<1x80x125xi32, #tpu.memory_space<hbm>>
      %dma_wait3A_27 = tpu.memref_squeeze %dma_wait3A_26 : memref<1x80x125xi32, #tpu.memory_space<hbm>> -> memref<80x125xi32, #tpu.memory_space<hbm>>
      tpu.wait_dma2 semaphore(%run_scoped3A : memref<!tpu.dma_semaphore, #tpu.memory_space<semaphore_mem>>) src(%dma_wait3A_27 : memref<80x125xi32, #tpu.memory_space<hbm>>) dst(%arg8 : memref<80x125xi32, #tpu.memory_space<vmem>>)
      tpu.yield
    }) : () -> ()
    %barrier3A = arith.constant 0 : index
    tpu.barrier barrier_id(%barrier3A)
    %scan3A = arith.constant 0 : i32
    %scan3A_5 = arith.constant 80 : i32
    %scan3A_6 = arith.addi %scan3A, %scan3A_5 : i32
    %scan3A_7 = arith.constant 1 : i32
    scf.for %scan3A_14 = %scan3A to %scan3A_6 step %scan3A_7  : i32 {
      %mul3A_15 = arith.constant 1 : i32
      %mul3A_16 = arith.muli %scan3A_14, %mul3A_15 : i32
      %add3A_17 = arith.constant 0 : i32
      %add3A_18 = arith.addi %add3A_17, %mul3A_16 : i32
      "tpu.region"() ({
        %run_scoped3A = tpu.sem_alloc : memref<!tpu.dma_semaphore, #tpu.memory_space<semaphore_mem>>
        %dma_start3A = arith.constant 0 : i32
        %dma_start3A_19 = tpu.memref_slice %arg7[%add3A_18, %dma_start3A] : memref<80x125xi32, #tpu.memory_space<vmem>> -> memref<1x125xi32, #tpu.memory_space<vmem>>
        %dma_start3A_20 = tpu.memref_squeeze %dma_start3A_19 : memref<1x125xi32, #tpu.memory_space<vmem>> -> memref<125xi32, #tpu.memory_space<vmem>>
        %dma_start3A_21 = arith.constant 0 : i32
        %dma_start3A_22 = arith.constant 0 : i32
        %dma_start3A_23 = tpu.memref_slice %arg2[%dma_start3A_21, %dma_start3A_22] : memref<10000x128xf32, #tpu.memory_space<hbm>> -> memref<10000x128xf32, #tpu.memory_space<hbm>>
        tpu.enqueue_indirect_dma source(%dma_start3A_23 : memref<10000x128xf32, #tpu.memory_space<hbm>>) target(%arg9 : memref<125x128xf32, #tpu.memory_space<vmem>>) offsets(%dma_start3A_20 : memref<125xi32, #tpu.memory_space<vmem>>) semaphore(%run_scoped3A : memref<!tpu.dma_semaphore, #tpu.memory_space<semaphore_mem>>)
        %dma_wait3A = arith.constant 0 : i32
        %dma_wait3A_24 = tpu.memref_slice %arg7[%add3A_18, %dma_wait3A] : memref<80x125xi32, #tpu.memory_space<vmem>> -> memref<1x125xi32, #tpu.memory_space<vmem>>
        %dma_wait3A_25 = tpu.memref_squeeze %dma_wait3A_24 : memref<1x125xi32, #tpu.memory_space<vmem>> -> memref<125xi32, #tpu.memory_space<vmem>>
        %dma_wait3A_26 = arith.constant 0 : i32
        %dma_wait3A_27 = arith.constant 0 : i32
        %dma_wait3A_28 = tpu.memref_slice %arg2[%dma_wait3A_26, %dma_wait3A_27] : memref<10000x128xf32, #tpu.memory_space<hbm>> -> memref<10000x128xf32, #tpu.memory_space<hbm>>
        tpu.wait_indirect_dma semaphore(%run_scoped3A : memref<!tpu.dma_semaphore, #tpu.memory_space<semaphore_mem>>) src(%dma_wait3A_28 : memref<10000x128xf32, #tpu.memory_space<hbm>>) dst(%arg9 : memref<125x128xf32, #tpu.memory_space<vmem>>)
        tpu.yield
      }) : () -> ()
      "tpu.region"() ({
        %run_scoped3A = tpu.sem_alloc : memref<!tpu.dma_semaphore, #tpu.memory_space<semaphore_mem>>
        %dma_start3A = arith.constant 0 : i32
        %dma_start3A_19 = tpu.memref_slice %arg8[%add3A_18, %dma_start3A] : memref<80x125xi32, #tpu.memory_space<vmem>> -> memref<1x125xi32, #tpu.memory_space<vmem>>
        %dma_start3A_20 = tpu.memref_squeeze %dma_start3A_19 : memref<1x125xi32, #tpu.memory_space<vmem>> -> memref<125xi32, #tpu.memory_space<vmem>>
        %dma_start3A_21 = arith.constant 0 : i32
        %dma_start3A_22 = arith.constant 0 : i32
        %dma_start3A_23 = tpu.memref_slice %arg10[%dma_start3A_21, %dma_start3A_22] : memref<10240x128xf32, #tpu.memory_space<vmem_shared>> -> memref<10240x128xf32, #tpu.memory_space<vmem_shared>>
        tpu.enqueue_indirect_dma source(%arg9 : memref<125x128xf32, #tpu.memory_space<vmem>>) target(%dma_start3A_23 : memref<10240x128xf32, #tpu.memory_space<vmem_shared>>) offsets(%dma_start3A_20 : memref<125xi32, #tpu.memory_space<vmem>>) semaphore(%run_scoped3A : memref<!tpu.dma_semaphore, #tpu.memory_space<semaphore_mem>>) {add = true}
        %dma_wait3A = arith.constant 0 : i32
        %dma_wait3A_24 = tpu.memref_slice %arg8[%add3A_18, %dma_wait3A] : memref<80x125xi32, #tpu.memory_space<vmem>> -> memref<1x125xi32, #tpu.memory_space<vmem>>
        %dma_wait3A_25 = tpu.memref_squeeze %dma_wait3A_24 : memref<1x125xi32, #tpu.memory_space<vmem>> -> memref<125xi32, #tpu.memory_space<vmem>>
        %dma_wait3A_26 = arith.constant 0 : i32
        %dma_wait3A_27 = arith.constant 0 : i32
        %dma_wait3A_28 = tpu.memref_slice %arg10[%dma_wait3A_26, %dma_wait3A_27] : memref<10240x128xf32, #tpu.memory_space<vmem_shared>> -> memref<10240x128xf32, #tpu.memory_space<vmem_shared>>
        tpu.wait_indirect_dma semaphore(%run_scoped3A : memref<!tpu.dma_semaphore, #tpu.memory_space<semaphore_mem>>) src(%arg9 : memref<125x128xf32, #tpu.memory_space<vmem>>) dst(%dma_wait3A_28 : memref<10240x128xf32, #tpu.memory_space<vmem_shared>>)
        tpu.yield
      }) : () -> ()
    }
    %scan3A_8 = arith.constant 80 : i32
    %barrier3A_9 = arith.constant 0 : index
    tpu.barrier barrier_id(%barrier3A_9)
    %mul3A_10 = arith.constant 640 : i32
    %mul3A_11 = arith.muli %arg1, %mul3A_10 : i32
    %mul3A_12 = arith.constant 640 : i32
    %mul3A_13 = arith.muli %arg1, %mul3A_12 : i32
    "tpu.region"() ({
      %run_scoped3A = tpu.sem_alloc : memref<!tpu.dma_semaphore, #tpu.memory_space<semaphore_mem>>
      %dma_start3A = arith.constant 0 : i32
      %dma_start3A_14 = tpu.memref_slice %arg6[%arg0, %mul3A_13, %dma_start3A] : memref<2x10240x128xf32, #tpu.memory_space<hbm>> -> memref<1x640x128xf32, #tpu.memory_space<hbm>>
      %dma_start3A_15 = tpu.memref_squeeze %dma_start3A_14 : memref<1x640x128xf32, #tpu.memory_space<hbm>> -> memref<640x128xf32, #tpu.memory_space<hbm>>
      %dma_start3A_16 = arith.constant 0 : i32
      %dma_start3A_17 = tpu.memref_slice %arg10[%mul3A_11, %dma_start3A_16] : memref<10240x128xf32, #tpu.memory_space<vmem_shared>> -> memref<640x128xf32, #tpu.memory_space<vmem_shared>>
      tpu.enqueue_dma source(%dma_start3A_17 : memref<640x128xf32, #tpu.memory_space<vmem_shared>>) target(%dma_start3A_15 : memref<640x128xf32, #tpu.memory_space<hbm>>) target_semaphore(%run_scoped3A : memref<!tpu.dma_semaphore, #tpu.memory_space<semaphore_mem>>)
      %dma_wait3A = arith.constant 0 : i32
      %dma_wait3A_18 = tpu.memref_slice %arg6[%arg0, %mul3A_13, %dma_wait3A] : memref<2x10240x128xf32, #tpu.memory_space<hbm>> -> memref<1x640x128xf32, #tpu.memory_space<hbm>>
      %dma_wait3A_19 = tpu.memref_squeeze %dma_wait3A_18 : memref<1x640x128xf32, #tpu.memory_space<hbm>> -> memref<640x128xf32, #tpu.memory_space<hbm>>
      %dma_wait3A_20 = arith.constant 0 : i32
      %dma_wait3A_21 = tpu.memref_slice %arg10[%mul3A_11, %dma_wait3A_20] : memref<10240x128xf32, #tpu.memory_space<vmem_shared>> -> memref<640x128xf32, #tpu.memory_space<vmem_shared>>
      tpu.wait_dma2 semaphore(%run_scoped3A : memref<!tpu.dma_semaphore, #tpu.memory_space<semaphore_mem>>) src(%dma_wait3A_21 : memref<640x128xf32, #tpu.memory_space<vmem_shared>>) dst(%dma_wait3A_19 : memref<640x128xf32, #tpu.memory_space<hbm>>)
      tpu.yield
    }) : () -> ()
    return
  }
}

#map = affine_map<(d0, d1) -> (0, 0)>
#map1 = affine_map<(d0, d1) -> (0, 0, 0)>
module attributes {stable_mosaic.version = 14 : i64} {
  func.func @_agg_body(%arg0: i32, %arg1: i32, %arg2: memref<10000x128xf32, #tpu.memory_space<hbm>>, %arg3: memref<32x80x125xi32, #tpu.memory_space<hbm>>, %arg4: memref<32x80x125xi32, #tpu.memory_space<hbm>>, %arg5: memref<10240x128xf32, #tpu.memory_space<hbm>>, %arg6: memref<2x10240x128xf32, #tpu.memory_space<hbm>>, %arg7: memref<80x125xi32, #tpu.memory_space<vmem>>, %arg8: memref<80x125xi32, #tpu.memory_space<vmem>>, %arg9: memref<125x128xf32, #tpu.memory_space<vmem>>, %arg10: memref<10240x128xf32, #tpu.memory_space<vmem_shared>>) attributes {dimension_semantics = [#tpu.dimension_semantics<core_parallel>, #tpu.dimension_semantics<subcore_parallel>], iteration_bounds = array<i64: 2, 16>, scalar_prefetch = 0 : i64, scratch_operands = 4 : i64, tpu.core_type = #tpu.core_type<sc_vector_subcore>, window_params = [{transform_indices = #map}, {transform_indices = #map1}, {transform_indices = #map1}, {transform_indices = #map}, {transform_indices = #map1}]} {
    %mul3A = arith.constant 16 : i32
    %mul3A_0 = arith.muli %arg0, %mul3A : i32
    %add3A = arith.addi %mul3A_0, %arg1 : i32
    %mul3A_1 = arith.constant 640 : i32
    %mul3A_2 = arith.muli %arg1, %mul3A_1 : i32
    %mul3A_3 = arith.constant 640 : i32
    %mul3A_4 = arith.muli %arg1, %mul3A_3 : i32
    "tpu.region"() ({
      %run_scoped3A = tpu.sem_alloc : memref<!tpu.dma_semaphore, #tpu.memory_space<semaphore_mem>>
      %dma_start3A = arith.constant 0 : i32
      %dma_start3A_14 = tpu.memref_slice %arg10[%mul3A_4, %dma_start3A] : memref<10240x128xf32, #tpu.memory_space<vmem_shared>> -> memref<640x128xf32, #tpu.memory_space<vmem_shared>>
      %dma_start3A_15 = arith.constant 0 : i32
      %dma_start3A_16 = tpu.memref_slice %arg5[%mul3A_2, %dma_start3A_15] : memref<10240x128xf32, #tpu.memory_space<hbm>> -> memref<640x128xf32, #tpu.memory_space<hbm>>
      tpu.enqueue_dma source(%dma_start3A_16 : memref<640x128xf32, #tpu.memory_space<hbm>>) target(%dma_start3A_14 : memref<640x128xf32, #tpu.memory_space<vmem_shared>>) target_semaphore(%run_scoped3A : memref<!tpu.dma_semaphore, #tpu.memory_space<semaphore_mem>>)
      %dma_wait3A = arith.constant 0 : i32
      %dma_wait3A_17 = tpu.memref_slice %arg10[%mul3A_4, %dma_wait3A] : memref<10240x128xf32, #tpu.memory_space<vmem_shared>> -> memref<640x128xf32, #tpu.memory_space<vmem_shared>>
      %dma_wait3A_18 = arith.constant 0 : i32
      %dma_wait3A_19 = tpu.memref_slice %arg5[%mul3A_2, %dma_wait3A_18] : memref<10240x128xf32, #tpu.memory_space<hbm>> -> memref<640x128xf32, #tpu.memory_space<hbm>>
      tpu.wait_dma2 semaphore(%run_scoped3A : memref<!tpu.dma_semaphore, #tpu.memory_space<semaphore_mem>>) src(%dma_wait3A_19 : memref<640x128xf32, #tpu.memory_space<hbm>>) dst(%dma_wait3A_17 : memref<640x128xf32, #tpu.memory_space<vmem_shared>>)
      tpu.yield
    }) : () -> ()
    "tpu.region"() ({
      %run_scoped3A = tpu.sem_alloc : memref<!tpu.dma_semaphore, #tpu.memory_space<semaphore_mem>>
      %dma_start3A = arith.constant 0 : i32
      %dma_start3A_14 = arith.constant 0 : i32
      %dma_start3A_15 = tpu.memref_slice %arg3[%add3A, %dma_start3A, %dma_start3A_14] : memref<32x80x125xi32, #tpu.memory_space<hbm>> -> memref<1x80x125xi32, #tpu.memory_space<hbm>>
      %dma_start3A_16 = tpu.memref_squeeze %dma_start3A_15 : memref<1x80x125xi32, #tpu.memory_space<hbm>> -> memref<80x125xi32, #tpu.memory_space<hbm>>
      %dma_start3A_17 = arith.constant 0 : i32
      %dma_start3A_18 = arith.constant 0 : i32
      %dma_start3A_19 = tpu.memref_slice %arg3[%add3A, %dma_start3A_17, %dma_start3A_18] : memref<32x80x125xi32, #tpu.memory_space<hbm>> -> memref<1x80x125xi32, #tpu.memory_space<hbm>>
      %dma_start3A_20 = tpu.memref_squeeze %dma_start3A_19 : memref<1x80x125xi32, #tpu.memory_space<hbm>> -> memref<80x125xi32, #tpu.memory_space<hbm>>
      tpu.enqueue_dma source(%dma_start3A_20 : memref<80x125xi32, #tpu.memory_space<hbm>>) target(%arg7 : memref<80x125xi32, #tpu.memory_space<vmem>>) target_semaphore(%run_scoped3A : memref<!tpu.dma_semaphore, #tpu.memory_space<semaphore_mem>>)
      %dma_wait3A = arith.constant 0 : i32
      %dma_wait3A_21 = arith.constant 0 : i32
      %dma_wait3A_22 = tpu.memref_slice %arg3[%add3A, %dma_wait3A, %dma_wait3A_21] : memref<32x80x125xi32, #tpu.memory_space<hbm>> -> memref<1x80x125xi32, #tpu.memory_space<hbm>>
      %dma_wait3A_23 = tpu.memref_squeeze %dma_wait3A_22 : memref<1x80x125xi32, #tpu.memory_space<hbm>> -> memref<80x125xi32, #tpu.memory_space<hbm>>
      %dma_wait3A_24 = arith.constant 0 : i32
      %dma_wait3A_25 = arith.constant 0 : i32
      %dma_wait3A_26 = tpu.memref_slice %arg3[%add3A, %dma_wait3A_24, %dma_wait3A_25] : memref<32x80x125xi32, #tpu.memory_space<hbm>> -> memref<1x80x125xi32, #tpu.memory_space<hbm>>
      %dma_wait3A_27 = tpu.memref_squeeze %dma_wait3A_26 : memref<1x80x125xi32, #tpu.memory_space<hbm>> -> memref<80x125xi32, #tpu.memory_space<hbm>>
      tpu.wait_dma2 semaphore(%run_scoped3A : memref<!tpu.dma_semaphore, #tpu.memory_space<semaphore_mem>>) src(%dma_wait3A_27 : memref<80x125xi32, #tpu.memory_space<hbm>>) dst(%arg7 : memref<80x125xi32, #tpu.memory_space<vmem>>)
      tpu.yield
    }) : () -> ()
    "tpu.region"() ({
      %run_scoped3A = tpu.sem_alloc : memref<!tpu.dma_semaphore, #tpu.memory_space<semaphore_mem>>
      %dma_start3A = arith.constant 0 : i32
      %dma_start3A_14 = arith.constant 0 : i32
      %dma_start3A_15 = tpu.memref_slice %arg4[%add3A, %dma_start3A, %dma_start3A_14] : memref<32x80x125xi32, #tpu.memory_space<hbm>> -> memref<1x80x125xi32, #tpu.memory_space<hbm>>
      %dma_start3A_16 = tpu.memref_squeeze %dma_start3A_15 : memref<1x80x125xi32, #tpu.memory_space<hbm>> -> memref<80x125xi32, #tpu.memory_space<hbm>>
      %dma_start3A_17 = arith.constant 0 : i32
      %dma_start3A_18 = arith.constant 0 : i32
      %dma_start3A_19 = tpu.memref_slice %arg4[%add3A, %dma_start3A_17, %dma_start3A_18] : memref<32x80x125xi32, #tpu.memory_space<hbm>> -> memref<1x80x125xi32, #tpu.memory_space<hbm>>
      %dma_start3A_20 = tpu.memref_squeeze %dma_start3A_19 : memref<1x80x125xi32, #tpu.memory_space<hbm>> -> memref<80x125xi32, #tpu.memory_space<hbm>>
      tpu.enqueue_dma source(%dma_start3A_20 : memref<80x125xi32, #tpu.memory_space<hbm>>) target(%arg8 : memref<80x125xi32, #tpu.memory_space<vmem>>) target_semaphore(%run_scoped3A : memref<!tpu.dma_semaphore, #tpu.memory_space<semaphore_mem>>)
      %dma_wait3A = arith.constant 0 : i32
      %dma_wait3A_21 = arith.constant 0 : i32
      %dma_wait3A_22 = tpu.memref_slice %arg4[%add3A, %dma_wait3A, %dma_wait3A_21] : memref<32x80x125xi32, #tpu.memory_space<hbm>> -> memref<1x80x125xi32, #tpu.memory_space<hbm>>
      %dma_wait3A_23 = tpu.memref_squeeze %dma_wait3A_22 : memref<1x80x125xi32, #tpu.memory_space<hbm>> -> memref<80x125xi32, #tpu.memory_space<hbm>>
      %dma_wait3A_24 = arith.constant 0 : i32
      %dma_wait3A_25 = arith.constant 0 : i32
      %dma_wait3A_26 = tpu.memref_slice %arg4[%add3A, %dma_wait3A_24, %dma_wait3A_25] : memref<32x80x125xi32, #tpu.memory_space<hbm>> -> memref<1x80x125xi32, #tpu.memory_space<hbm>>
      %dma_wait3A_27 = tpu.memref_squeeze %dma_wait3A_26 : memref<1x80x125xi32, #tpu.memory_space<hbm>> -> memref<80x125xi32, #tpu.memory_space<hbm>>
      tpu.wait_dma2 semaphore(%run_scoped3A : memref<!tpu.dma_semaphore, #tpu.memory_space<semaphore_mem>>) src(%dma_wait3A_27 : memref<80x125xi32, #tpu.memory_space<hbm>>) dst(%arg8 : memref<80x125xi32, #tpu.memory_space<vmem>>)
      tpu.yield
    }) : () -> ()
    %barrier3A = arith.constant 0 : index
    tpu.barrier barrier_id(%barrier3A)
    %scan3A = arith.constant 0 : i32
    %scan3A_5 = arith.constant 80 : i32
    %scan3A_6 = arith.addi %scan3A, %scan3A_5 : i32
    %scan3A_7 = arith.constant 1 : i32
    scf.for %scan3A_14 = %scan3A to %scan3A_6 step %scan3A_7  : i32 {
      %mul3A_15 = arith.constant 1 : i32
      %mul3A_16 = arith.muli %scan3A_14, %mul3A_15 : i32
      %add3A_17 = arith.constant 0 : i32
      %add3A_18 = arith.addi %add3A_17, %mul3A_16 : i32
      "tpu.region"() ({
        %run_scoped3A = tpu.sem_alloc : memref<!tpu.dma_semaphore, #tpu.memory_space<semaphore_mem>>
        %dma_start3A = arith.constant 0 : i32
        %dma_start3A_19 = tpu.memref_slice %arg7[%add3A_18, %dma_start3A] : memref<80x125xi32, #tpu.memory_space<vmem>> -> memref<1x125xi32, #tpu.memory_space<vmem>>
        %dma_start3A_20 = tpu.memref_squeeze %dma_start3A_19 : memref<1x125xi32, #tpu.memory_space<vmem>> -> memref<125xi32, #tpu.memory_space<vmem>>
        %dma_start3A_21 = arith.constant 0 : i32
        %dma_start3A_22 = arith.constant 0 : i32
        %dma_start3A_23 = tpu.memref_slice %arg2[%dma_start3A_21, %dma_start3A_22] : memref<10000x128xf32, #tpu.memory_space<hbm>> -> memref<10000x128xf32, #tpu.memory_space<hbm>>
        tpu.enqueue_indirect_dma source(%dma_start3A_23 : memref<10000x128xf32, #tpu.memory_space<hbm>>) target(%arg9 : memref<125x128xf32, #tpu.memory_space<vmem>>) offsets(%dma_start3A_20 : memref<125xi32, #tpu.memory_space<vmem>>) semaphore(%run_scoped3A : memref<!tpu.dma_semaphore, #tpu.memory_space<semaphore_mem>>)
        %dma_wait3A = arith.constant 0 : i32
        %dma_wait3A_24 = tpu.memref_slice %arg7[%add3A_18, %dma_wait3A] : memref<80x125xi32, #tpu.memory_space<vmem>> -> memref<1x125xi32, #tpu.memory_space<vmem>>
        %dma_wait3A_25 = tpu.memref_squeeze %dma_wait3A_24 : memref<1x125xi32, #tpu.memory_space<vmem>> -> memref<125xi32, #tpu.memory_space<vmem>>
        %dma_wait3A_26 = arith.constant 0 : i32
        %dma_wait3A_27 = arith.constant 0 : i32
        %dma_wait3A_28 = tpu.memref_slice %arg2[%dma_wait3A_26, %dma_wait3A_27] : memref<10000x128xf32, #tpu.memory_space<hbm>> -> memref<10000x128xf32, #tpu.memory_space<hbm>>
        tpu.wait_indirect_dma semaphore(%run_scoped3A : memref<!tpu.dma_semaphore, #tpu.memory_space<semaphore_mem>>) src(%dma_wait3A_28 : memref<10000x128xf32, #tpu.memory_space<hbm>>) dst(%arg9 : memref<125x128xf32, #tpu.memory_space<vmem>>)
        tpu.yield
      }) : () -> ()
      "tpu.region"() ({
        %run_scoped3A = tpu.sem_alloc : memref<!tpu.dma_semaphore, #tpu.memory_space<semaphore_mem>>
        %dma_start3A = arith.constant 0 : i32
        %dma_start3A_19 = tpu.memref_slice %arg8[%add3A_18, %dma_start3A] : memref<80x125xi32, #tpu.memory_space<vmem>> -> memref<1x125xi32, #tpu.memory_space<vmem>>
        %dma_start3A_20 = tpu.memref_squeeze %dma_start3A_19 : memref<1x125xi32, #tpu.memory_space<vmem>> -> memref<125xi32, #tpu.memory_space<vmem>>
        %dma_start3A_21 = arith.constant 0 : i32
        %dma_start3A_22 = arith.constant 0 : i32
        %dma_start3A_23 = tpu.memref_slice %arg10[%dma_start3A_21, %dma_start3A_22] : memref<10240x128xf32, #tpu.memory_space<vmem_shared>> -> memref<10240x128xf32, #tpu.memory_space<vmem_shared>>
        tpu.enqueue_indirect_dma source(%arg9 : memref<125x128xf32, #tpu.memory_space<vmem>>) target(%dma_start3A_23 : memref<10240x128xf32, #tpu.memory_space<vmem_shared>>) offsets(%dma_start3A_20 : memref<125xi32, #tpu.memory_space<vmem>>) semaphore(%run_scoped3A : memref<!tpu.dma_semaphore, #tpu.memory_space<semaphore_mem>>) {add = true}
        %dma_wait3A = arith.constant 0 : i32
        %dma_wait3A_24 = tpu.memref_slice %arg8[%add3A_18, %dma_wait3A] : memref<80x125xi32, #tpu.memory_space<vmem>> -> memref<1x125xi32, #tpu.memory_space<vmem>>
        %dma_wait3A_25 = tpu.memref_squeeze %dma_wait3A_24 : memref<1x125xi32, #tpu.memory_space<vmem>> -> memref<125xi32, #tpu.memory_space<vmem>>
        %dma_wait3A_26 = arith.constant 0 : i32
        %dma_wait3A_27 = arith.constant 0 : i32
        %dma_wait3A_28 = tpu.memref_slice %arg10[%dma_wait3A_26, %dma_wait3A_27] : memref<10240x128xf32, #tpu.memory_space<vmem_shared>> -> memref<10240x128xf32, #tpu.memory_space<vmem_shared>>
        tpu.wait_indirect_dma semaphore(%run_scoped3A : memref<!tpu.dma_semaphore, #tpu.memory_space<semaphore_mem>>) src(%arg9 : memref<125x128xf32, #tpu.memory_space<vmem>>) dst(%dma_wait3A_28 : memref<10240x128xf32, #tpu.memory_space<vmem_shared>>)
        tpu.yield
      }) : () -> ()
    }
    %scan3A_8 = arith.constant 80 : i32
    %barrier3A_9 = arith.constant 0 : index
    tpu.barrier barrier_id(%barrier3A_9)
    %mul3A_10 = arith.constant 640 : i32
    %mul3A_11 = arith.muli %arg1, %mul3A_10 : i32
    %mul3A_12 = arith.constant 640 : i32
    %mul3A_13 = arith.muli %arg1, %mul3A_12 : i32
    "tpu.region"() ({
      %run_scoped3A = tpu.sem_alloc : memref<!tpu.dma_semaphore, #tpu.memory_space<semaphore_mem>>
      %dma_start3A = arith.constant 0 : i32
      %dma_start3A_14 = tpu.memref_slice %arg6[%arg0, %mul3A_13, %dma_start3A] : memref<2x10240x128xf32, #tpu.memory_space<hbm>> -> memref<1x640x128xf32, #tpu.memory_space<hbm>>
      %dma_start3A_15 = tpu.memref_squeeze %dma_start3A_14 : memref<1x640x128xf32, #tpu.memory_space<hbm>> -> memref<640x128xf32, #tpu.memory_space<hbm>>
      %dma_start3A_16 = arith.constant 0 : i32
      %dma_start3A_17 = tpu.memref_slice %arg10[%mul3A_11, %dma_start3A_16] : memref<10240x128xf32, #tpu.memory_space<vmem_shared>> -> memref<640x128xf32, #tpu.memory_space<vmem_shared>>
      tpu.enqueue_dma source(%dma_start3A_17 : memref<640x128xf32, #tpu.memory_space<vmem_shared>>) target(%dma_start3A_15 : memref<640x128xf32, #tpu.memory_space<hbm>>) target_semaphore(%run_scoped3A : memref<!tpu.dma_semaphore, #tpu.memory_space<semaphore_mem>>)
      %dma_wait3A = arith.constant 0 : i32
      %dma_wait3A_18 = tpu.memref_slice %arg6[%arg0, %mul3A_13, %dma_wait3A] : memref<2x10240x128xf32, #tpu.memory_space<hbm>> -> memref<1x640x128xf32, #tpu.memory_space<hbm>>
      %dma_wait3A_19 = tpu.memref_squeeze %dma_wait3A_18 : memref<1x640x128xf32, #tpu.memory_space<hbm>> -> memref<640x128xf32, #tpu.memory_space<hbm>>
      %dma_wait3A_20 = arith.constant 0 : i32
      %dma_wait3A_21 = tpu.memref_slice %arg10[%mul3A_11, %dma_wait3A_20] : memref<10240x128xf32, #tpu.memory_space<vmem_shared>> -> memref<640x128xf32, #tpu.memory_space<vmem_shared>>
      tpu.wait_dma2 semaphore(%run_scoped3A : memref<!tpu.dma_semaphore, #tpu.memory_space<semaphore_mem>>) src(%dma_wait3A_21 : memref<640x128xf32, #tpu.memory_space<vmem_shared>>) dst(%dma_wait3A_19 : memref<640x128xf32, #tpu.memory_space<hbm>>)
      tpu.yield
    }) : () -> ()
    return
  }
}

#map = affine_map<(d0, d1) -> (0, 0)>
#map1 = affine_map<(d0, d1) -> (0, 0, 0)>
module attributes {stable_mosaic.version = 14 : i64} {
  func.func @_agg_body(%arg0: i32, %arg1: i32, %arg2: memref<10000x128xf32, #tpu.memory_space<hbm>>, %arg3: memref<32x80x125xi32, #tpu.memory_space<hbm>>, %arg4: memref<32x80x125xi32, #tpu.memory_space<hbm>>, %arg5: memref<10240x128xf32, #tpu.memory_space<hbm>>, %arg6: memref<2x10240x128xf32, #tpu.memory_space<hbm>>, %arg7: memref<80x125xi32, #tpu.memory_space<vmem>>, %arg8: memref<80x125xi32, #tpu.memory_space<vmem>>, %arg9: memref<125x128xf32, #tpu.memory_space<vmem>>, %arg10: memref<10240x128xf32, #tpu.memory_space<vmem_shared>>) attributes {dimension_semantics = [#tpu.dimension_semantics<core_parallel>, #tpu.dimension_semantics<subcore_parallel>], iteration_bounds = array<i64: 2, 16>, scalar_prefetch = 0 : i64, scratch_operands = 4 : i64, tpu.core_type = #tpu.core_type<sc_vector_subcore>, window_params = [{transform_indices = #map}, {transform_indices = #map1}, {transform_indices = #map1}, {transform_indices = #map}, {transform_indices = #map1}]} {
    %mul3A = arith.constant 16 : i32
    %mul3A_0 = arith.muli %arg0, %mul3A : i32
    %add3A = arith.addi %mul3A_0, %arg1 : i32
    %mul3A_1 = arith.constant 640 : i32
    %mul3A_2 = arith.muli %arg1, %mul3A_1 : i32
    %mul3A_3 = arith.constant 640 : i32
    %mul3A_4 = arith.muli %arg1, %mul3A_3 : i32
    "tpu.region"() ({
      %run_scoped3A = tpu.sem_alloc : memref<!tpu.dma_semaphore, #tpu.memory_space<semaphore_mem>>
      %dma_start3A = arith.constant 0 : i32
      %dma_start3A_14 = tpu.memref_slice %arg10[%mul3A_4, %dma_start3A] : memref<10240x128xf32, #tpu.memory_space<vmem_shared>> -> memref<640x128xf32, #tpu.memory_space<vmem_shared>>
      %dma_start3A_15 = arith.constant 0 : i32
      %dma_start3A_16 = tpu.memref_slice %arg5[%mul3A_2, %dma_start3A_15] : memref<10240x128xf32, #tpu.memory_space<hbm>> -> memref<640x128xf32, #tpu.memory_space<hbm>>
      tpu.enqueue_dma source(%dma_start3A_16 : memref<640x128xf32, #tpu.memory_space<hbm>>) target(%dma_start3A_14 : memref<640x128xf32, #tpu.memory_space<vmem_shared>>) target_semaphore(%run_scoped3A : memref<!tpu.dma_semaphore, #tpu.memory_space<semaphore_mem>>)
      %dma_wait3A = arith.constant 0 : i32
      %dma_wait3A_17 = tpu.memref_slice %arg10[%mul3A_4, %dma_wait3A] : memref<10240x128xf32, #tpu.memory_space<vmem_shared>> -> memref<640x128xf32, #tpu.memory_space<vmem_shared>>
      %dma_wait3A_18 = arith.constant 0 : i32
      %dma_wait3A_19 = tpu.memref_slice %arg5[%mul3A_2, %dma_wait3A_18] : memref<10240x128xf32, #tpu.memory_space<hbm>> -> memref<640x128xf32, #tpu.memory_space<hbm>>
      tpu.wait_dma2 semaphore(%run_scoped3A : memref<!tpu.dma_semaphore, #tpu.memory_space<semaphore_mem>>) src(%dma_wait3A_19 : memref<640x128xf32, #tpu.memory_space<hbm>>) dst(%dma_wait3A_17 : memref<640x128xf32, #tpu.memory_space<vmem_shared>>)
      tpu.yield
    }) : () -> ()
    "tpu.region"() ({
      %run_scoped3A = tpu.sem_alloc : memref<!tpu.dma_semaphore, #tpu.memory_space<semaphore_mem>>
      %dma_start3A = arith.constant 0 : i32
      %dma_start3A_14 = arith.constant 0 : i32
      %dma_start3A_15 = tpu.memref_slice %arg3[%add3A, %dma_start3A, %dma_start3A_14] : memref<32x80x125xi32, #tpu.memory_space<hbm>> -> memref<1x80x125xi32, #tpu.memory_space<hbm>>
      %dma_start3A_16 = tpu.memref_squeeze %dma_start3A_15 : memref<1x80x125xi32, #tpu.memory_space<hbm>> -> memref<80x125xi32, #tpu.memory_space<hbm>>
      %dma_start3A_17 = arith.constant 0 : i32
      %dma_start3A_18 = arith.constant 0 : i32
      %dma_start3A_19 = tpu.memref_slice %arg3[%add3A, %dma_start3A_17, %dma_start3A_18] : memref<32x80x125xi32, #tpu.memory_space<hbm>> -> memref<1x80x125xi32, #tpu.memory_space<hbm>>
      %dma_start3A_20 = tpu.memref_squeeze %dma_start3A_19 : memref<1x80x125xi32, #tpu.memory_space<hbm>> -> memref<80x125xi32, #tpu.memory_space<hbm>>
      tpu.enqueue_dma source(%dma_start3A_20 : memref<80x125xi32, #tpu.memory_space<hbm>>) target(%arg7 : memref<80x125xi32, #tpu.memory_space<vmem>>) target_semaphore(%run_scoped3A : memref<!tpu.dma_semaphore, #tpu.memory_space<semaphore_mem>>)
      %dma_wait3A = arith.constant 0 : i32
      %dma_wait3A_21 = arith.constant 0 : i32
      %dma_wait3A_22 = tpu.memref_slice %arg3[%add3A, %dma_wait3A, %dma_wait3A_21] : memref<32x80x125xi32, #tpu.memory_space<hbm>> -> memref<1x80x125xi32, #tpu.memory_space<hbm>>
      %dma_wait3A_23 = tpu.memref_squeeze %dma_wait3A_22 : memref<1x80x125xi32, #tpu.memory_space<hbm>> -> memref<80x125xi32, #tpu.memory_space<hbm>>
      %dma_wait3A_24 = arith.constant 0 : i32
      %dma_wait3A_25 = arith.constant 0 : i32
      %dma_wait3A_26 = tpu.memref_slice %arg3[%add3A, %dma_wait3A_24, %dma_wait3A_25] : memref<32x80x125xi32, #tpu.memory_space<hbm>> -> memref<1x80x125xi32, #tpu.memory_space<hbm>>
      %dma_wait3A_27 = tpu.memref_squeeze %dma_wait3A_26 : memref<1x80x125xi32, #tpu.memory_space<hbm>> -> memref<80x125xi32, #tpu.memory_space<hbm>>
      tpu.wait_dma2 semaphore(%run_scoped3A : memref<!tpu.dma_semaphore, #tpu.memory_space<semaphore_mem>>) src(%dma_wait3A_27 : memref<80x125xi32, #tpu.memory_space<hbm>>) dst(%arg7 : memref<80x125xi32, #tpu.memory_space<vmem>>)
      tpu.yield
    }) : () -> ()
    "tpu.region"() ({
      %run_scoped3A = tpu.sem_alloc : memref<!tpu.dma_semaphore, #tpu.memory_space<semaphore_mem>>
      %dma_start3A = arith.constant 0 : i32
      %dma_start3A_14 = arith.constant 0 : i32
      %dma_start3A_15 = tpu.memref_slice %arg4[%add3A, %dma_start3A, %dma_start3A_14] : memref<32x80x125xi32, #tpu.memory_space<hbm>> -> memref<1x80x125xi32, #tpu.memory_space<hbm>>
      %dma_start3A_16 = tpu.memref_squeeze %dma_start3A_15 : memref<1x80x125xi32, #tpu.memory_space<hbm>> -> memref<80x125xi32, #tpu.memory_space<hbm>>
      %dma_start3A_17 = arith.constant 0 : i32
      %dma_start3A_18 = arith.constant 0 : i32
      %dma_start3A_19 = tpu.memref_slice %arg4[%add3A, %dma_start3A_17, %dma_start3A_18] : memref<32x80x125xi32, #tpu.memory_space<hbm>> -> memref<1x80x125xi32, #tpu.memory_space<hbm>>
      %dma_start3A_20 = tpu.memref_squeeze %dma_start3A_19 : memref<1x80x125xi32, #tpu.memory_space<hbm>> -> memref<80x125xi32, #tpu.memory_space<hbm>>
      tpu.enqueue_dma source(%dma_start3A_20 : memref<80x125xi32, #tpu.memory_space<hbm>>) target(%arg8 : memref<80x125xi32, #tpu.memory_space<vmem>>) target_semaphore(%run_scoped3A : memref<!tpu.dma_semaphore, #tpu.memory_space<semaphore_mem>>)
      %dma_wait3A = arith.constant 0 : i32
      %dma_wait3A_21 = arith.constant 0 : i32
      %dma_wait3A_22 = tpu.memref_slice %arg4[%add3A, %dma_wait3A, %dma_wait3A_21] : memref<32x80x125xi32, #tpu.memory_space<hbm>> -> memref<1x80x125xi32, #tpu.memory_space<hbm>>
      %dma_wait3A_23 = tpu.memref_squeeze %dma_wait3A_22 : memref<1x80x125xi32, #tpu.memory_space<hbm>> -> memref<80x125xi32, #tpu.memory_space<hbm>>
      %dma_wait3A_24 = arith.constant 0 : i32
      %dma_wait3A_25 = arith.constant 0 : i32
      %dma_wait3A_26 = tpu.memref_slice %arg4[%add3A, %dma_wait3A_24, %dma_wait3A_25] : memref<32x80x125xi32, #tpu.memory_space<hbm>> -> memref<1x80x125xi32, #tpu.memory_space<hbm>>
      %dma_wait3A_27 = tpu.memref_squeeze %dma_wait3A_26 : memref<1x80x125xi32, #tpu.memory_space<hbm>> -> memref<80x125xi32, #tpu.memory_space<hbm>>
      tpu.wait_dma2 semaphore(%run_scoped3A : memref<!tpu.dma_semaphore, #tpu.memory_space<semaphore_mem>>) src(%dma_wait3A_27 : memref<80x125xi32, #tpu.memory_space<hbm>>) dst(%arg8 : memref<80x125xi32, #tpu.memory_space<vmem>>)
      tpu.yield
    }) : () -> ()
    %barrier3A = arith.constant 0 : index
    tpu.barrier barrier_id(%barrier3A)
    %scan3A = arith.constant 0 : i32
    %scan3A_5 = arith.constant 80 : i32
    %scan3A_6 = arith.addi %scan3A, %scan3A_5 : i32
    %scan3A_7 = arith.constant 1 : i32
    scf.for %scan3A_14 = %scan3A to %scan3A_6 step %scan3A_7  : i32 {
      %mul3A_15 = arith.constant 1 : i32
      %mul3A_16 = arith.muli %scan3A_14, %mul3A_15 : i32
      %add3A_17 = arith.constant 0 : i32
      %add3A_18 = arith.addi %add3A_17, %mul3A_16 : i32
      "tpu.region"() ({
        %run_scoped3A = tpu.sem_alloc : memref<!tpu.dma_semaphore, #tpu.memory_space<semaphore_mem>>
        %dma_start3A = arith.constant 0 : i32
        %dma_start3A_19 = tpu.memref_slice %arg7[%add3A_18, %dma_start3A] : memref<80x125xi32, #tpu.memory_space<vmem>> -> memref<1x125xi32, #tpu.memory_space<vmem>>
        %dma_start3A_20 = tpu.memref_squeeze %dma_start3A_19 : memref<1x125xi32, #tpu.memory_space<vmem>> -> memref<125xi32, #tpu.memory_space<vmem>>
        %dma_start3A_21 = arith.constant 0 : i32
        %dma_start3A_22 = arith.constant 0 : i32
        %dma_start3A_23 = tpu.memref_slice %arg2[%dma_start3A_21, %dma_start3A_22] : memref<10000x128xf32, #tpu.memory_space<hbm>> -> memref<10000x128xf32, #tpu.memory_space<hbm>>
        tpu.enqueue_indirect_dma source(%dma_start3A_23 : memref<10000x128xf32, #tpu.memory_space<hbm>>) target(%arg9 : memref<125x128xf32, #tpu.memory_space<vmem>>) offsets(%dma_start3A_20 : memref<125xi32, #tpu.memory_space<vmem>>) semaphore(%run_scoped3A : memref<!tpu.dma_semaphore, #tpu.memory_space<semaphore_mem>>)
        %dma_wait3A = arith.constant 0 : i32
        %dma_wait3A_24 = tpu.memref_slice %arg7[%add3A_18, %dma_wait3A] : memref<80x125xi32, #tpu.memory_space<vmem>> -> memref<1x125xi32, #tpu.memory_space<vmem>>
        %dma_wait3A_25 = tpu.memref_squeeze %dma_wait3A_24 : memref<1x125xi32, #tpu.memory_space<vmem>> -> memref<125xi32, #tpu.memory_space<vmem>>
        %dma_wait3A_26 = arith.constant 0 : i32
        %dma_wait3A_27 = arith.constant 0 : i32
        %dma_wait3A_28 = tpu.memref_slice %arg2[%dma_wait3A_26, %dma_wait3A_27] : memref<10000x128xf32, #tpu.memory_space<hbm>> -> memref<10000x128xf32, #tpu.memory_space<hbm>>
        tpu.wait_indirect_dma semaphore(%run_scoped3A : memref<!tpu.dma_semaphore, #tpu.memory_space<semaphore_mem>>) src(%dma_wait3A_28 : memref<10000x128xf32, #tpu.memory_space<hbm>>) dst(%arg9 : memref<125x128xf32, #tpu.memory_space<vmem>>)
        tpu.yield
      }) : () -> ()
      "tpu.region"() ({
        %run_scoped3A = tpu.sem_alloc : memref<!tpu.dma_semaphore, #tpu.memory_space<semaphore_mem>>
        %dma_start3A = arith.constant 0 : i32
        %dma_start3A_19 = tpu.memref_slice %arg8[%add3A_18, %dma_start3A] : memref<80x125xi32, #tpu.memory_space<vmem>> -> memref<1x125xi32, #tpu.memory_space<vmem>>
        %dma_start3A_20 = tpu.memref_squeeze %dma_start3A_19 : memref<1x125xi32, #tpu.memory_space<vmem>> -> memref<125xi32, #tpu.memory_space<vmem>>
        %dma_start3A_21 = arith.constant 0 : i32
        %dma_start3A_22 = arith.constant 0 : i32
        %dma_start3A_23 = tpu.memref_slice %arg10[%dma_start3A_21, %dma_start3A_22] : memref<10240x128xf32, #tpu.memory_space<vmem_shared>> -> memref<10240x128xf32, #tpu.memory_space<vmem_shared>>
        tpu.enqueue_indirect_dma source(%arg9 : memref<125x128xf32, #tpu.memory_space<vmem>>) target(%dma_start3A_23 : memref<10240x128xf32, #tpu.memory_space<vmem_shared>>) offsets(%dma_start3A_20 : memref<125xi32, #tpu.memory_space<vmem>>) semaphore(%run_scoped3A : memref<!tpu.dma_semaphore, #tpu.memory_space<semaphore_mem>>) {add = true}
        %dma_wait3A = arith.constant 0 : i32
        %dma_wait3A_24 = tpu.memref_slice %arg8[%add3A_18, %dma_wait3A] : memref<80x125xi32, #tpu.memory_space<vmem>> -> memref<1x125xi32, #tpu.memory_space<vmem>>
        %dma_wait3A_25 = tpu.memref_squeeze %dma_wait3A_24 : memref<1x125xi32, #tpu.memory_space<vmem>> -> memref<125xi32, #tpu.memory_space<vmem>>
        %dma_wait3A_26 = arith.constant 0 : i32
        %dma_wait3A_27 = arith.constant 0 : i32
        %dma_wait3A_28 = tpu.memref_slice %arg10[%dma_wait3A_26, %dma_wait3A_27] : memref<10240x128xf32, #tpu.memory_space<vmem_shared>> -> memref<10240x128xf32, #tpu.memory_space<vmem_shared>>
        tpu.wait_indirect_dma semaphore(%run_scoped3A : memref<!tpu.dma_semaphore, #tpu.memory_space<semaphore_mem>>) src(%arg9 : memref<125x128xf32, #tpu.memory_space<vmem>>) dst(%dma_wait3A_28 : memref<10240x128xf32, #tpu.memory_space<vmem_shared>>)
        tpu.yield
      }) : () -> ()
    }
    %scan3A_8 = arith.constant 80 : i32
    %barrier3A_9 = arith.constant 0 : index
    tpu.barrier barrier_id(%barrier3A_9)
    %mul3A_10 = arith.constant 640 : i32
    %mul3A_11 = arith.muli %arg1, %mul3A_10 : i32
    %mul3A_12 = arith.constant 640 : i32
    %mul3A_13 = arith.muli %arg1, %mul3A_12 : i32
    "tpu.region"() ({
      %run_scoped3A = tpu.sem_alloc : memref<!tpu.dma_semaphore, #tpu.memory_space<semaphore_mem>>
      %dma_start3A = arith.constant 0 : i32
      %dma_start3A_14 = tpu.memref_slice %arg6[%arg0, %mul3A_13, %dma_start3A] : memref<2x10240x128xf32, #tpu.memory_space<hbm>> -> memref<1x640x128xf32, #tpu.memory_space<hbm>>
      %dma_start3A_15 = tpu.memref_squeeze %dma_start3A_14 : memref<1x640x128xf32, #tpu.memory_space<hbm>> -> memref<640x128xf32, #tpu.memory_space<hbm>>
      %dma_start3A_16 = arith.constant 0 : i32
      %dma_start3A_17 = tpu.memref_slice %arg10[%mul3A_11, %dma_start3A_16] : memref<10240x128xf32, #tpu.memory_space<vmem_shared>> -> memref<640x128xf32, #tpu.memory_space<vmem_shared>>
      tpu.enqueue_dma source(%dma_start3A_17 : memref<640x128xf32, #tpu.memory_space<vmem_shared>>) target(%dma_start3A_15 : memref<640x128xf32, #tpu.memory_space<hbm>>) target_semaphore(%run_scoped3A : memref<!tpu.dma_semaphore, #tpu.memory_space<semaphore_mem>>)
      %dma_wait3A = arith.constant 0 : i32
      %dma_wait3A_18 = tpu.memref_slice %arg6[%arg0, %mul3A_13, %dma_wait3A] : memref<2x10240x128xf32, #tpu.memory_space<hbm>> -> memref<1x640x128xf32, #tpu.memory_space<hbm>>
      %dma_wait3A_19 = tpu.memref_squeeze %dma_wait3A_18 : memref<1x640x128xf32, #tpu.memory_space<hbm>> -> memref<640x128xf32, #tpu.memory_space<hbm>>
      %dma_wait3A_20 = arith.constant 0 : i32
      %dma_wait3A_21 = tpu.memref_slice %arg10[%mul3A_11, %dma_wait3A_20] : memref<10240x128xf32, #tpu.memory_space<vmem_shared>> -> memref<640x128xf32, #tpu.memory_space<vmem_shared>>
      tpu.wait_dma2 semaphore(%run_scoped3A : memref<!tpu.dma_semaphore, #tpu.memory_space<semaphore_mem>>) src(%dma_wait3A_21 : memref<640x128xf32, #tpu.memory_space<vmem_shared>>) dst(%dma_wait3A_19 : memref<640x128xf32, #tpu.memory_space<hbm>>)
      tpu.yield
    }) : () -> ()
    return
  }
}

#map = affine_map<(d0, d1) -> (0, 0)>
#map1 = affine_map<(d0, d1) -> (0, 0, 0)>
module attributes {stable_mosaic.version = 14 : i64} {
  func.func @_agg_body(%arg0: i32, %arg1: i32, %arg2: memref<10000x128xf32, #tpu.memory_space<hbm>>, %arg3: memref<32x80x125xi32, #tpu.memory_space<hbm>>, %arg4: memref<32x80x125xi32, #tpu.memory_space<hbm>>, %arg5: memref<10240x128xf32, #tpu.memory_space<hbm>>, %arg6: memref<2x10240x128xf32, #tpu.memory_space<hbm>>, %arg7: memref<80x125xi32, #tpu.memory_space<vmem>>, %arg8: memref<80x125xi32, #tpu.memory_space<vmem>>, %arg9: memref<125x128xf32, #tpu.memory_space<vmem>>, %arg10: memref<10240x128xf32, #tpu.memory_space<vmem_shared>>) attributes {dimension_semantics = [#tpu.dimension_semantics<core_parallel>, #tpu.dimension_semantics<subcore_parallel>], iteration_bounds = array<i64: 2, 16>, scalar_prefetch = 0 : i64, scratch_operands = 4 : i64, tpu.core_type = #tpu.core_type<sc_vector_subcore>, window_params = [{transform_indices = #map}, {transform_indices = #map1}, {transform_indices = #map1}, {transform_indices = #map}, {transform_indices = #map1}]} {
    %mul3A = arith.constant 16 : i32
    %mul3A_0 = arith.muli %arg0, %mul3A : i32
    %add3A = arith.addi %mul3A_0, %arg1 : i32
    %mul3A_1 = arith.constant 640 : i32
    %mul3A_2 = arith.muli %arg1, %mul3A_1 : i32
    %mul3A_3 = arith.constant 640 : i32
    %mul3A_4 = arith.muli %arg1, %mul3A_3 : i32
    "tpu.region"() ({
      %run_scoped3A = tpu.sem_alloc : memref<!tpu.dma_semaphore, #tpu.memory_space<semaphore_mem>>
      %dma_start3A = arith.constant 0 : i32
      %dma_start3A_14 = tpu.memref_slice %arg10[%mul3A_4, %dma_start3A] : memref<10240x128xf32, #tpu.memory_space<vmem_shared>> -> memref<640x128xf32, #tpu.memory_space<vmem_shared>>
      %dma_start3A_15 = arith.constant 0 : i32
      %dma_start3A_16 = tpu.memref_slice %arg5[%mul3A_2, %dma_start3A_15] : memref<10240x128xf32, #tpu.memory_space<hbm>> -> memref<640x128xf32, #tpu.memory_space<hbm>>
      tpu.enqueue_dma source(%dma_start3A_16 : memref<640x128xf32, #tpu.memory_space<hbm>>) target(%dma_start3A_14 : memref<640x128xf32, #tpu.memory_space<vmem_shared>>) target_semaphore(%run_scoped3A : memref<!tpu.dma_semaphore, #tpu.memory_space<semaphore_mem>>)
      %dma_wait3A = arith.constant 0 : i32
      %dma_wait3A_17 = tpu.memref_slice %arg10[%mul3A_4, %dma_wait3A] : memref<10240x128xf32, #tpu.memory_space<vmem_shared>> -> memref<640x128xf32, #tpu.memory_space<vmem_shared>>
      %dma_wait3A_18 = arith.constant 0 : i32
      %dma_wait3A_19 = tpu.memref_slice %arg5[%mul3A_2, %dma_wait3A_18] : memref<10240x128xf32, #tpu.memory_space<hbm>> -> memref<640x128xf32, #tpu.memory_space<hbm>>
      tpu.wait_dma2 semaphore(%run_scoped3A : memref<!tpu.dma_semaphore, #tpu.memory_space<semaphore_mem>>) src(%dma_wait3A_19 : memref<640x128xf32, #tpu.memory_space<hbm>>) dst(%dma_wait3A_17 : memref<640x128xf32, #tpu.memory_space<vmem_shared>>)
      tpu.yield
    }) : () -> ()
    "tpu.region"() ({
      %run_scoped3A = tpu.sem_alloc : memref<!tpu.dma_semaphore, #tpu.memory_space<semaphore_mem>>
      %dma_start3A = arith.constant 0 : i32
      %dma_start3A_14 = arith.constant 0 : i32
      %dma_start3A_15 = tpu.memref_slice %arg3[%add3A, %dma_start3A, %dma_start3A_14] : memref<32x80x125xi32, #tpu.memory_space<hbm>> -> memref<1x80x125xi32, #tpu.memory_space<hbm>>
      %dma_start3A_16 = tpu.memref_squeeze %dma_start3A_15 : memref<1x80x125xi32, #tpu.memory_space<hbm>> -> memref<80x125xi32, #tpu.memory_space<hbm>>
      %dma_start3A_17 = arith.constant 0 : i32
      %dma_start3A_18 = arith.constant 0 : i32
      %dma_start3A_19 = tpu.memref_slice %arg3[%add3A, %dma_start3A_17, %dma_start3A_18] : memref<32x80x125xi32, #tpu.memory_space<hbm>> -> memref<1x80x125xi32, #tpu.memory_space<hbm>>
      %dma_start3A_20 = tpu.memref_squeeze %dma_start3A_19 : memref<1x80x125xi32, #tpu.memory_space<hbm>> -> memref<80x125xi32, #tpu.memory_space<hbm>>
      tpu.enqueue_dma source(%dma_start3A_20 : memref<80x125xi32, #tpu.memory_space<hbm>>) target(%arg7 : memref<80x125xi32, #tpu.memory_space<vmem>>) target_semaphore(%run_scoped3A : memref<!tpu.dma_semaphore, #tpu.memory_space<semaphore_mem>>)
      %dma_wait3A = arith.constant 0 : i32
      %dma_wait3A_21 = arith.constant 0 : i32
      %dma_wait3A_22 = tpu.memref_slice %arg3[%add3A, %dma_wait3A, %dma_wait3A_21] : memref<32x80x125xi32, #tpu.memory_space<hbm>> -> memref<1x80x125xi32, #tpu.memory_space<hbm>>
      %dma_wait3A_23 = tpu.memref_squeeze %dma_wait3A_22 : memref<1x80x125xi32, #tpu.memory_space<hbm>> -> memref<80x125xi32, #tpu.memory_space<hbm>>
      %dma_wait3A_24 = arith.constant 0 : i32
      %dma_wait3A_25 = arith.constant 0 : i32
      %dma_wait3A_26 = tpu.memref_slice %arg3[%add3A, %dma_wait3A_24, %dma_wait3A_25] : memref<32x80x125xi32, #tpu.memory_space<hbm>> -> memref<1x80x125xi32, #tpu.memory_space<hbm>>
      %dma_wait3A_27 = tpu.memref_squeeze %dma_wait3A_26 : memref<1x80x125xi32, #tpu.memory_space<hbm>> -> memref<80x125xi32, #tpu.memory_space<hbm>>
      tpu.wait_dma2 semaphore(%run_scoped3A : memref<!tpu.dma_semaphore, #tpu.memory_space<semaphore_mem>>) src(%dma_wait3A_27 : memref<80x125xi32, #tpu.memory_space<hbm>>) dst(%arg7 : memref<80x125xi32, #tpu.memory_space<vmem>>)
      tpu.yield
    }) : () -> ()
    "tpu.region"() ({
      %run_scoped3A = tpu.sem_alloc : memref<!tpu.dma_semaphore, #tpu.memory_space<semaphore_mem>>
      %dma_start3A = arith.constant 0 : i32
      %dma_start3A_14 = arith.constant 0 : i32
      %dma_start3A_15 = tpu.memref_slice %arg4[%add3A, %dma_start3A, %dma_start3A_14] : memref<32x80x125xi32, #tpu.memory_space<hbm>> -> memref<1x80x125xi32, #tpu.memory_space<hbm>>
      %dma_start3A_16 = tpu.memref_squeeze %dma_start3A_15 : memref<1x80x125xi32, #tpu.memory_space<hbm>> -> memref<80x125xi32, #tpu.memory_space<hbm>>
      %dma_start3A_17 = arith.constant 0 : i32
      %dma_start3A_18 = arith.constant 0 : i32
      %dma_start3A_19 = tpu.memref_slice %arg4[%add3A, %dma_start3A_17, %dma_start3A_18] : memref<32x80x125xi32, #tpu.memory_space<hbm>> -> memref<1x80x125xi32, #tpu.memory_space<hbm>>
      %dma_start3A_20 = tpu.memref_squeeze %dma_start3A_19 : memref<1x80x125xi32, #tpu.memory_space<hbm>> -> memref<80x125xi32, #tpu.memory_space<hbm>>
      tpu.enqueue_dma source(%dma_start3A_20 : memref<80x125xi32, #tpu.memory_space<hbm>>) target(%arg8 : memref<80x125xi32, #tpu.memory_space<vmem>>) target_semaphore(%run_scoped3A : memref<!tpu.dma_semaphore, #tpu.memory_space<semaphore_mem>>)
      %dma_wait3A = arith.constant 0 : i32
      %dma_wait3A_21 = arith.constant 0 : i32
      %dma_wait3A_22 = tpu.memref_slice %arg4[%add3A, %dma_wait3A, %dma_wait3A_21] : memref<32x80x125xi32, #tpu.memory_space<hbm>> -> memref<1x80x125xi32, #tpu.memory_space<hbm>>
      %dma_wait3A_23 = tpu.memref_squeeze %dma_wait3A_22 : memref<1x80x125xi32, #tpu.memory_space<hbm>> -> memref<80x125xi32, #tpu.memory_space<hbm>>
      %dma_wait3A_24 = arith.constant 0 : i32
      %dma_wait3A_25 = arith.constant 0 : i32
      %dma_wait3A_26 = tpu.memref_slice %arg4[%add3A, %dma_wait3A_24, %dma_wait3A_25] : memref<32x80x125xi32, #tpu.memory_space<hbm>> -> memref<1x80x125xi32, #tpu.memory_space<hbm>>
      %dma_wait3A_27 = tpu.memref_squeeze %dma_wait3A_26 : memref<1x80x125xi32, #tpu.memory_space<hbm>> -> memref<80x125xi32, #tpu.memory_space<hbm>>
      tpu.wait_dma2 semaphore(%run_scoped3A : memref<!tpu.dma_semaphore, #tpu.memory_space<semaphore_mem>>) src(%dma_wait3A_27 : memref<80x125xi32, #tpu.memory_space<hbm>>) dst(%arg8 : memref<80x125xi32, #tpu.memory_space<vmem>>)
      tpu.yield
    }) : () -> ()
    %barrier3A = arith.constant 0 : index
    tpu.barrier barrier_id(%barrier3A)
    %scan3A = arith.constant 0 : i32
    %scan3A_5 = arith.constant 80 : i32
    %scan3A_6 = arith.addi %scan3A, %scan3A_5 : i32
    %scan3A_7 = arith.constant 1 : i32
    scf.for %scan3A_14 = %scan3A to %scan3A_6 step %scan3A_7  : i32 {
      %mul3A_15 = arith.constant 1 : i32
      %mul3A_16 = arith.muli %scan3A_14, %mul3A_15 : i32
      %add3A_17 = arith.constant 0 : i32
      %add3A_18 = arith.addi %add3A_17, %mul3A_16 : i32
      "tpu.region"() ({
        %run_scoped3A = tpu.sem_alloc : memref<!tpu.dma_semaphore, #tpu.memory_space<semaphore_mem>>
        %dma_start3A = arith.constant 0 : i32
        %dma_start3A_19 = tpu.memref_slice %arg7[%add3A_18, %dma_start3A] : memref<80x125xi32, #tpu.memory_space<vmem>> -> memref<1x125xi32, #tpu.memory_space<vmem>>
        %dma_start3A_20 = tpu.memref_squeeze %dma_start3A_19 : memref<1x125xi32, #tpu.memory_space<vmem>> -> memref<125xi32, #tpu.memory_space<vmem>>
        %dma_start3A_21 = arith.constant 0 : i32
        %dma_start3A_22 = arith.constant 0 : i32
        %dma_start3A_23 = tpu.memref_slice %arg2[%dma_start3A_21, %dma_start3A_22] : memref<10000x128xf32, #tpu.memory_space<hbm>> -> memref<10000x128xf32, #tpu.memory_space<hbm>>
        tpu.enqueue_indirect_dma source(%dma_start3A_23 : memref<10000x128xf32, #tpu.memory_space<hbm>>) target(%arg9 : memref<125x128xf32, #tpu.memory_space<vmem>>) offsets(%dma_start3A_20 : memref<125xi32, #tpu.memory_space<vmem>>) semaphore(%run_scoped3A : memref<!tpu.dma_semaphore, #tpu.memory_space<semaphore_mem>>)
        %dma_wait3A = arith.constant 0 : i32
        %dma_wait3A_24 = tpu.memref_slice %arg7[%add3A_18, %dma_wait3A] : memref<80x125xi32, #tpu.memory_space<vmem>> -> memref<1x125xi32, #tpu.memory_space<vmem>>
        %dma_wait3A_25 = tpu.memref_squeeze %dma_wait3A_24 : memref<1x125xi32, #tpu.memory_space<vmem>> -> memref<125xi32, #tpu.memory_space<vmem>>
        %dma_wait3A_26 = arith.constant 0 : i32
        %dma_wait3A_27 = arith.constant 0 : i32
        %dma_wait3A_28 = tpu.memref_slice %arg2[%dma_wait3A_26, %dma_wait3A_27] : memref<10000x128xf32, #tpu.memory_space<hbm>> -> memref<10000x128xf32, #tpu.memory_space<hbm>>
        tpu.wait_indirect_dma semaphore(%run_scoped3A : memref<!tpu.dma_semaphore, #tpu.memory_space<semaphore_mem>>) src(%dma_wait3A_28 : memref<10000x128xf32, #tpu.memory_space<hbm>>) dst(%arg9 : memref<125x128xf32, #tpu.memory_space<vmem>>)
        tpu.yield
      }) : () -> ()
      "tpu.region"() ({
        %run_scoped3A = tpu.sem_alloc : memref<!tpu.dma_semaphore, #tpu.memory_space<semaphore_mem>>
        %dma_start3A = arith.constant 0 : i32
        %dma_start3A_19 = tpu.memref_slice %arg8[%add3A_18, %dma_start3A] : memref<80x125xi32, #tpu.memory_space<vmem>> -> memref<1x125xi32, #tpu.memory_space<vmem>>
        %dma_start3A_20 = tpu.memref_squeeze %dma_start3A_19 : memref<1x125xi32, #tpu.memory_space<vmem>> -> memref<125xi32, #tpu.memory_space<vmem>>
        %dma_start3A_21 = arith.constant 0 : i32
        %dma_start3A_22 = arith.constant 0 : i32
        %dma_start3A_23 = tpu.memref_slice %arg10[%dma_start3A_21, %dma_start3A_22] : memref<10240x128xf32, #tpu.memory_space<vmem_shared>> -> memref<10240x128xf32, #tpu.memory_space<vmem_shared>>
        tpu.enqueue_indirect_dma source(%arg9 : memref<125x128xf32, #tpu.memory_space<vmem>>) target(%dma_start3A_23 : memref<10240x128xf32, #tpu.memory_space<vmem_shared>>) offsets(%dma_start3A_20 : memref<125xi32, #tpu.memory_space<vmem>>) semaphore(%run_scoped3A : memref<!tpu.dma_semaphore, #tpu.memory_space<semaphore_mem>>) {add = true}
        %dma_wait3A = arith.constant 0 : i32
        %dma_wait3A_24 = tpu.memref_slice %arg8[%add3A_18, %dma_wait3A] : memref<80x125xi32, #tpu.memory_space<vmem>> -> memref<1x125xi32, #tpu.memory_space<vmem>>
        %dma_wait3A_25 = tpu.memref_squeeze %dma_wait3A_24 : memref<1x125xi32, #tpu.memory_space<vmem>> -> memref<125xi32, #tpu.memory_space<vmem>>
        %dma_wait3A_26 = arith.constant 0 : i32
        %dma_wait3A_27 = arith.constant 0 : i32
        %dma_wait3A_28 = tpu.memref_slice %arg10[%dma_wait3A_26, %dma_wait3A_27] : memref<10240x128xf32, #tpu.memory_space<vmem_shared>> -> memref<10240x128xf32, #tpu.memory_space<vmem_shared>>
        tpu.wait_indirect_dma semaphore(%run_scoped3A : memref<!tpu.dma_semaphore, #tpu.memory_space<semaphore_mem>>) src(%arg9 : memref<125x128xf32, #tpu.memory_space<vmem>>) dst(%dma_wait3A_28 : memref<10240x128xf32, #tpu.memory_space<vmem_shared>>)
        tpu.yield
      }) : () -> ()
    }
    %scan3A_8 = arith.constant 80 : i32
    %barrier3A_9 = arith.constant 0 : index
    tpu.barrier barrier_id(%barrier3A_9)
    %mul3A_10 = arith.constant 640 : i32
    %mul3A_11 = arith.muli %arg1, %mul3A_10 : i32
    %mul3A_12 = arith.constant 640 : i32
    %mul3A_13 = arith.muli %arg1, %mul3A_12 : i32
    "tpu.region"() ({
      %run_scoped3A = tpu.sem_alloc : memref<!tpu.dma_semaphore, #tpu.memory_space<semaphore_mem>>
      %dma_start3A = arith.constant 0 : i32
      %dma_start3A_14 = tpu.memref_slice %arg6[%arg0, %mul3A_13, %dma_start3A] : memref<2x10240x128xf32, #tpu.memory_space<hbm>> -> memref<1x640x128xf32, #tpu.memory_space<hbm>>
      %dma_start3A_15 = tpu.memref_squeeze %dma_start3A_14 : memref<1x640x128xf32, #tpu.memory_space<hbm>> -> memref<640x128xf32, #tpu.memory_space<hbm>>
      %dma_start3A_16 = arith.constant 0 : i32
      %dma_start3A_17 = tpu.memref_slice %arg10[%mul3A_11, %dma_start3A_16] : memref<10240x128xf32, #tpu.memory_space<vmem_shared>> -> memref<640x128xf32, #tpu.memory_space<vmem_shared>>
      tpu.enqueue_dma source(%dma_start3A_17 : memref<640x128xf32, #tpu.memory_space<vmem_shared>>) target(%dma_start3A_15 : memref<640x128xf32, #tpu.memory_space<hbm>>) target_semaphore(%run_scoped3A : memref<!tpu.dma_semaphore, #tpu.memory_space<semaphore_mem>>)
      %dma_wait3A = arith.constant 0 : i32
      %dma_wait3A_18 = tpu.memref_slice %arg6[%arg0, %mul3A_13, %dma_wait3A] : memref<2x10240x128xf32, #tpu.memory_space<hbm>> -> memref<1x640x128xf32, #tpu.memory_space<hbm>>
      %dma_wait3A_19 = tpu.memref_squeeze %dma_wait3A_18 : memref<1x640x128xf32, #tpu.memory_space<hbm>> -> memref<640x128xf32, #tpu.memory_space<hbm>>
      %dma_wait3A_20 = arith.constant 0 : i32
      %dma_wait3A_21 = tpu.memref_slice %arg10[%mul3A_11, %dma_wait3A_20] : memref<10240x128xf32, #tpu.memory_space<vmem_shared>> -> memref<640x128xf32, #tpu.memory_space<vmem_shared>>
      tpu.wait_dma2 semaphore(%run_scoped3A : memref<!tpu.dma_semaphore, #tpu.memory_space<semaphore_mem>>) src(%dma_wait3A_21 : memref<640x128xf32, #tpu.memory_space<vmem_shared>>) dst(%dma_wait3A_19 : memref<640x128xf32, #tpu.memory_space<hbm>>)
      tpu.yield
    }) : () -> ()
    return
  }
}

module attributes {stable_mosaic.version = 14 : i64} {
  func.func @_tc_in_body(%arg0: memref<10000x1xf32, #tpu.memory_space<vmem>>, %arg1: memref<1x128xf32, #tpu.memory_space<vmem>>, %arg2: memref<1x128xf32, #tpu.memory_space<vmem>>, %arg3: memref<1x128xf32, #tpu.memory_space<vmem>>, %arg4: memref<1x128xf32, #tpu.memory_space<vmem>>, %arg5: memref<128x128xf32, #tpu.memory_space<vmem>>, %arg6: memref<2x10000x1xf32, #tpu.memory_space<vmem>>, %arg7: memref<10000x128xf32, #tpu.memory_space<vmem>>, %arg8: memref<10000x1xf32, #tpu.memory_space<vmem>>) attributes {dimension_semantics = [], scalar_prefetch = 0 : i64, scratch_operands = 0 : i64, tpu.core_type = #tpu.core_type<tc>} {
    %get3A = arith.constant 0 : index
    %get3A_0 = arith.constant 0 : index
    %get3A_1 = vector.load %arg0[%get3A, %get3A_0] : memref<10000x1xf32, #tpu.memory_space<vmem>>, vector<10000x1xf32>
    %get3A_2 = arith.constant 0 : index
    %get3A_3 = arith.constant 0 : index
    %get3A_4 = vector.load %arg1[%get3A_2, %get3A_3] : memref<1x128xf32, #tpu.memory_space<vmem>>, vector<1x128xf32>
    %mul3A = vector.broadcast %get3A_1 : vector<10000x1xf32> to vector<10000x128xf32>
    %mul3A_5 = vector.broadcast %get3A_4 : vector<1x128xf32> to vector<10000x128xf32>
    %mul3A_6 = arith.mulf %mul3A, %mul3A_5 : vector<10000x128xf32>
    %get3A_7 = arith.constant 0 : index
    %get3A_8 = arith.constant 0 : index
    %get3A_9 = vector.load %arg2[%get3A_7, %get3A_8] : memref<1x128xf32, #tpu.memory_space<vmem>>, vector<1x128xf32>
    %add3A = vector.broadcast %get3A_9 : vector<1x128xf32> to vector<10000x128xf32>
    %add3A_10 = arith.addf %mul3A_6, %add3A : vector<10000x128xf32>
    %reduce_sum3A = arith.constant dense<0.000000e+00> : vector<10000xf32>
    %reduce_sum3A_11 = vector.multi_reduction <add>, %add3A_10, %reduce_sum3A [1] : vector<10000x128xf32> to vector<10000xf32>
    %broadcast_in_dim3A = vector.shape_cast %reduce_sum3A_11 : vector<10000xf32> to vector<10000x1xf32>
    %div3A = arith.constant 1.280000e+02 : f32
    %div3A_12 = vector.broadcast %div3A : f32 to vector<10000x1xf32>
    %div3A_13 = arith.divf %broadcast_in_dim3A, %div3A_12 : vector<10000x1xf32>
    %sub3A = vector.broadcast %div3A_13 : vector<10000x1xf32> to vector<10000x128xf32>
    %sub3A_14 = arith.subf %add3A_10, %sub3A : vector<10000x128xf32>
    %integer_pow3A = arith.mulf %sub3A_14, %sub3A_14 : vector<10000x128xf32>
    %reduce_sum3A_15 = arith.constant dense<0.000000e+00> : vector<10000xf32>
    %reduce_sum3A_16 = vector.multi_reduction <add>, %integer_pow3A, %reduce_sum3A_15 [1] : vector<10000x128xf32> to vector<10000xf32>
    %broadcast_in_dim3A_17 = vector.shape_cast %reduce_sum3A_16 : vector<10000xf32> to vector<10000x1xf32>
    %div3A_18 = arith.constant 1.280000e+02 : f32
    %div3A_19 = vector.broadcast %div3A_18 : f32 to vector<10000x1xf32>
    %div3A_20 = arith.divf %broadcast_in_dim3A_17, %div3A_19 : vector<10000x1xf32>
    %sub3A_21 = vector.broadcast %div3A_13 : vector<10000x1xf32> to vector<10000x128xf32>
    %sub3A_22 = arith.subf %add3A_10, %sub3A_21 : vector<10000x128xf32>
    %add3A_23 = arith.constant 9.99999974E-6 : f32
    %add3A_24 = vector.broadcast %add3A_23 : f32 to vector<10000x1xf32>
    %add3A_25 = arith.addf %div3A_20, %add3A_24 : vector<10000x1xf32>
    %rsqrt3A = math.rsqrt %add3A_25 : vector<10000x1xf32>
    %mul3A_26 = vector.broadcast %rsqrt3A : vector<10000x1xf32> to vector<10000x128xf32>
    %mul3A_27 = arith.mulf %sub3A_22, %mul3A_26 : vector<10000x128xf32>
    %get3A_28 = arith.constant 0 : index
    %get3A_29 = arith.constant 0 : index
    %get3A_30 = vector.load %arg3[%get3A_28, %get3A_29] : memref<1x128xf32, #tpu.memory_space<vmem>>, vector<1x128xf32>
    %mul3A_31 = vector.broadcast %get3A_30 : vector<1x128xf32> to vector<10000x128xf32>
    %mul3A_32 = arith.mulf %mul3A_27, %mul3A_31 : vector<10000x128xf32>
    %get3A_33 = arith.constant 0 : index
    %get3A_34 = arith.constant 0 : index
    %get3A_35 = vector.load %arg4[%get3A_33, %get3A_34] : memref<1x128xf32, #tpu.memory_space<vmem>>, vector<1x128xf32>
    %add3A_36 = vector.broadcast %get3A_35 : vector<1x128xf32> to vector<10000x128xf32>
    %add3A_37 = arith.addf %mul3A_32, %add3A_36 : vector<10000x128xf32>
    %gt3A = arith.constant 0.000000e+00 : f32
    %gt3A_38 = vector.broadcast %gt3A : f32 to vector<10000x128xf32>
    %gt3A_39 = arith.cmpf ogt, %add3A_37, %gt3A_38 : vector<10000x128xf32>
    %min3A = arith.constant 0.000000e+00 : f32
    %min3A_40 = vector.broadcast %min3A : f32 to vector<10000x128xf32>
    %min3A_41 = arith.minimumf %add3A_37, %min3A_40 : vector<10000x128xf32>
    %exp3A = math.exp %min3A_41 : vector<10000x128xf32>
    %sub3A_42 = arith.constant 1.000000e+00 : f32
    %sub3A_43 = vector.broadcast %sub3A_42 : f32 to vector<10000x128xf32>
    %sub3A_44 = arith.subf %exp3A, %sub3A_43 : vector<10000x128xf32>
    %select_n3A = arith.select %gt3A_39, %add3A_37, %sub3A_44 : vector<10000x128xi1>, vector<10000x128xf32>
    %get3A_45 = arith.constant 0 : index
    %get3A_46 = arith.constant 0 : index
    %get3A_47 = arith.constant 0 : index
    %get3A_48 = vector.load %arg6[%get3A_45, %get3A_46, %get3A_47] : memref<2x10000x1xf32, #tpu.memory_space<vmem>>, vector<1x10000x1xf32>
    %get3A_49 = vector.shape_cast %get3A_48 : vector<1x10000x1xf32> to vector<10000x1xf32>
    %get3A_50 = arith.constant 1 : index
    %get3A_51 = arith.constant 0 : index
    %get3A_52 = arith.constant 0 : index
    %get3A_53 = vector.load %arg6[%get3A_50, %get3A_51, %get3A_52] : memref<2x10000x1xf32, #tpu.memory_space<vmem>>, vector<1x10000x1xf32>
    %get3A_54 = vector.shape_cast %get3A_53 : vector<1x10000x1xf32> to vector<10000x1xf32>
    %add3A_55 = arith.addf %get3A_49, %get3A_54 : vector<10000x1xf32>
    %add3A_56 = arith.constant 1.000000e+00 : f32
    %add3A_57 = vector.broadcast %add3A_56 : f32 to vector<10000x1xf32>
    %add3A_58 = arith.addf %add3A_55, %add3A_57 : vector<10000x1xf32>
    %rsqrt3A_59 = math.rsqrt %add3A_58 : vector<10000x1xf32>
    %swap3A = arith.constant 0 : index
    %swap3A_60 = arith.constant 0 : index
    %swap3A_61 = vector.load %arg8[%swap3A, %swap3A_60] : memref<10000x1xf32, #tpu.memory_space<vmem>>, vector<10000x1xf32>
    tpu.vector_store %arg8[%swap3A, %swap3A_60], %rsqrt3A_59 {strides = array<i32>} : memref<10000x1xf32, #tpu.memory_space<vmem>>, vector<10000x1xf32>,
    %get3A_62 = arith.constant 0 : index
    %get3A_63 = arith.constant 0 : index
    %get3A_64 = vector.load %arg5[%get3A_62, %get3A_63] : memref<128x128xf32, #tpu.memory_space<vmem>>, vector<128x128xf32>
    %dot_general3A = arith.constant dense<0.000000e+00> : vector<10000x128xf32>
    %dot_general3A_65 = tpu.matmul %select_n3A, %get3A_64, %dot_general3A {dimension_numbers = #tpu.dot_dimension_numbers<[1], [0], [0], [1], [0, 0, 1, 1], [], []>, transpose_lhs_hint = false} : vector<10000x128xf32>, vector<128x128xf32>, vector<10000x128xf32> -> vector<10000x128xf32>
    %mul3A_66 = vector.broadcast %rsqrt3A_59 : vector<10000x1xf32> to vector<10000x128xf32>
    %mul3A_67 = arith.mulf %dot_general3A_65, %mul3A_66 : vector<10000x128xf32>
    %swap3A_68 = arith.constant 0 : index
    %swap3A_69 = arith.constant 0 : index
    %swap3A_70 = vector.load %arg7[%swap3A_68, %swap3A_69] : memref<10000x128xf32, #tpu.memory_space<vmem>>, vector<10000x128xf32>
    tpu.vector_store %arg7[%swap3A_68, %swap3A_69], %mul3A_67 {strides = array<i32>} : memref<10000x128xf32, #tpu.memory_space<vmem>>, vector<10000x128xf32>,
    return
  }
}

module attributes {stable_mosaic.version = 14 : i64} {
  func.func @_tc_mid_body(%arg0: memref<2x10000x128xf32, #tpu.memory_space<vmem>>, %arg1: memref<10000x128xf32, #tpu.memory_space<vmem>>, %arg2: memref<10000x1xf32, #tpu.memory_space<vmem>>, %arg3: memref<1x128xf32, #tpu.memory_space<vmem>>, %arg4: memref<1x128xf32, #tpu.memory_space<vmem>>, %arg5: memref<1x128xf32, #tpu.memory_space<vmem>>, %arg6: memref<128x128xf32, #tpu.memory_space<vmem>>, %arg7: memref<10000x128xf32, #tpu.memory_space<vmem>>) attributes {dimension_semantics = [], scalar_prefetch = 0 : i64, scratch_operands = 0 : i64, tpu.core_type = #tpu.core_type<tc>} {
    %get3A = arith.constant 0 : index
    %get3A_0 = arith.constant 0 : index
    %get3A_1 = vector.load %arg2[%get3A, %get3A_0] : memref<10000x1xf32, #tpu.memory_space<vmem>>, vector<10000x1xf32>
    %get3A_2 = arith.constant 0 : index
    %get3A_3 = arith.constant 0 : index
    %get3A_4 = arith.constant 0 : index
    %get3A_5 = vector.load %arg0[%get3A_2, %get3A_3, %get3A_4] : memref<2x10000x128xf32, #tpu.memory_space<vmem>>, vector<1x10000x128xf32>
    %get3A_6 = vector.shape_cast %get3A_5 : vector<1x10000x128xf32> to vector<10000x128xf32>
    %get3A_7 = arith.constant 1 : index
    %get3A_8 = arith.constant 0 : index
    %get3A_9 = arith.constant 0 : index
    %get3A_10 = vector.load %arg0[%get3A_7, %get3A_8, %get3A_9] : memref<2x10000x128xf32, #tpu.memory_space<vmem>>, vector<1x10000x128xf32>
    %get3A_11 = vector.shape_cast %get3A_10 : vector<1x10000x128xf32> to vector<10000x128xf32>
    %add3A = arith.addf %get3A_6, %get3A_11 : vector<10000x128xf32>
    %get3A_12 = arith.constant 0 : index
    %get3A_13 = arith.constant 0 : index
    %get3A_14 = vector.load %arg1[%get3A_12, %get3A_13] : memref<10000x128xf32, #tpu.memory_space<vmem>>, vector<10000x128xf32>
    %add3A_15 = arith.addf %add3A, %get3A_14 : vector<10000x128xf32>
    %mul3A = vector.broadcast %get3A_1 : vector<10000x1xf32> to vector<10000x128xf32>
    %mul3A_16 = arith.mulf %add3A_15, %mul3A : vector<10000x128xf32>
    %get3A_17 = arith.constant 0 : index
    %get3A_18 = arith.constant 0 : index
    %get3A_19 = vector.load %arg3[%get3A_17, %get3A_18] : memref<1x128xf32, #tpu.memory_space<vmem>>, vector<1x128xf32>
    %add3A_20 = vector.broadcast %get3A_19 : vector<1x128xf32> to vector<10000x128xf32>
    %add3A_21 = arith.addf %mul3A_16, %add3A_20 : vector<10000x128xf32>
    %reduce_sum3A = arith.constant dense<0.000000e+00> : vector<128xf32>
    %reduce_sum3A_22 = vector.multi_reduction <add>, %add3A_21, %reduce_sum3A [0] : vector<10000x128xf32> to vector<128xf32>
    %broadcast_in_dim3A = vector.shape_cast %reduce_sum3A_22 : vector<128xf32> to vector<1x128xf32>
    %div3A = arith.constant 1.000000e+04 : f32
    %div3A_23 = vector.broadcast %div3A : f32 to vector<1x128xf32>
    %div3A_24 = arith.divf %broadcast_in_dim3A, %div3A_23 : vector<1x128xf32>
    %sub3A = vector.broadcast %div3A_24 : vector<1x128xf32> to vector<10000x128xf32>
    %sub3A_25 = arith.subf %add3A_21, %sub3A : vector<10000x128xf32>
    %integer_pow3A = arith.mulf %sub3A_25, %sub3A_25 : vector<10000x128xf32>
    %reduce_sum3A_26 = arith.constant dense<0.000000e+00> : vector<128xf32>
    %reduce_sum3A_27 = vector.multi_reduction <add>, %integer_pow3A, %reduce_sum3A_26 [0] : vector<10000x128xf32> to vector<128xf32>
    %broadcast_in_dim3A_28 = vector.shape_cast %reduce_sum3A_27 : vector<128xf32> to vector<1x128xf32>
    %div3A_29 = arith.constant 1.000000e+04 : f32
    %div3A_30 = vector.broadcast %div3A_29 : f32 to vector<1x128xf32>
    %div3A_31 = arith.divf %broadcast_in_dim3A_28, %div3A_30 : vector<1x128xf32>
    %sub3A_32 = vector.broadcast %div3A_24 : vector<1x128xf32> to vector<10000x128xf32>
    %sub3A_33 = arith.subf %add3A_21, %sub3A_32 : vector<10000x128xf32>
    %add3A_34 = arith.constant 9.99999974E-6 : f32
    %add3A_35 = vector.broadcast %add3A_34 : f32 to vector<1x128xf32>
    %add3A_36 = arith.addf %div3A_31, %add3A_35 : vector<1x128xf32>
    %rsqrt3A = math.rsqrt %add3A_36 : vector<1x128xf32>
    %mul3A_37 = vector.broadcast %rsqrt3A : vector<1x128xf32> to vector<10000x128xf32>
    %mul3A_38 = arith.mulf %sub3A_33, %mul3A_37 : vector<10000x128xf32>
    %get3A_39 = arith.constant 0 : index
    %get3A_40 = arith.constant 0 : index
    %get3A_41 = vector.load %arg4[%get3A_39, %get3A_40] : memref<1x128xf32, #tpu.memory_space<vmem>>, vector<1x128xf32>
    %mul3A_42 = vector.broadcast %get3A_41 : vector<1x128xf32> to vector<10000x128xf32>
    %mul3A_43 = arith.mulf %mul3A_38, %mul3A_42 : vector<10000x128xf32>
    %get3A_44 = arith.constant 0 : index
    %get3A_45 = arith.constant 0 : index
    %get3A_46 = vector.load %arg5[%get3A_44, %get3A_45] : memref<1x128xf32, #tpu.memory_space<vmem>>, vector<1x128xf32>
    %add3A_47 = vector.broadcast %get3A_46 : vector<1x128xf32> to vector<10000x128xf32>
    %add3A_48 = arith.addf %mul3A_43, %add3A_47 : vector<10000x128xf32>
    %gt3A = arith.constant 0.000000e+00 : f32
    %gt3A_49 = vector.broadcast %gt3A : f32 to vector<10000x128xf32>
    %gt3A_50 = arith.cmpf ogt, %add3A_48, %gt3A_49 : vector<10000x128xf32>
    %min3A = arith.constant 0.000000e+00 : f32
    %min3A_51 = vector.broadcast %min3A : f32 to vector<10000x128xf32>
    %min3A_52 = arith.minimumf %add3A_48, %min3A_51 : vector<10000x128xf32>
    %exp3A = math.exp %min3A_52 : vector<10000x128xf32>
    %sub3A_53 = arith.constant 1.000000e+00 : f32
    %sub3A_54 = vector.broadcast %sub3A_53 : f32 to vector<10000x128xf32>
    %sub3A_55 = arith.subf %exp3A, %sub3A_54 : vector<10000x128xf32>
    %select_n3A = arith.select %gt3A_50, %add3A_48, %sub3A_55 : vector<10000x128xi1>, vector<10000x128xf32>
    %get3A_56 = arith.constant 0 : index
    %get3A_57 = arith.constant 0 : index
    %get3A_58 = vector.load %arg6[%get3A_56, %get3A_57] : memref<128x128xf32, #tpu.memory_space<vmem>>, vector<128x128xf32>
    %dot_general3A = arith.constant dense<0.000000e+00> : vector<10000x128xf32>
    %dot_general3A_59 = tpu.matmul %select_n3A, %get3A_58, %dot_general3A {dimension_numbers = #tpu.dot_dimension_numbers<[1], [0], [0], [1], [0, 0, 1, 1], [], []>, transpose_lhs_hint = false} : vector<10000x128xf32>, vector<128x128xf32>, vector<10000x128xf32> -> vector<10000x128xf32>
    %mul3A_60 = vector.broadcast %get3A_1 : vector<10000x1xf32> to vector<10000x128xf32>
    %mul3A_61 = arith.mulf %dot_general3A_59, %mul3A_60 : vector<10000x128xf32>
    %swap3A = arith.constant 0 : index
    %swap3A_62 = arith.constant 0 : index
    %swap3A_63 = vector.load %arg7[%swap3A, %swap3A_62] : memref<10000x128xf32, #tpu.memory_space<vmem>>, vector<10000x128xf32>
    tpu.vector_store %arg7[%swap3A, %swap3A_62], %mul3A_61 {strides = array<i32>} : memref<10000x128xf32, #tpu.memory_space<vmem>>, vector<10000x128xf32>,
    return
  }
}

module attributes {stable_mosaic.version = 14 : i64} {
  func.func @_tc_out_body(%arg0: memref<2x10000x128xf32, #tpu.memory_space<vmem>>, %arg1: memref<10000x128xf32, #tpu.memory_space<vmem>>, %arg2: memref<10000x1xf32, #tpu.memory_space<vmem>>, %arg3: memref<1x128xf32, #tpu.memory_space<vmem>>, %arg4: memref<1x128xf32, #tpu.memory_space<vmem>>, %arg5: memref<1x128xf32, #tpu.memory_space<vmem>>, %arg6: memref<128x1xf32, #tpu.memory_space<vmem>>, %arg7: memref<1x1xf32, #tpu.memory_space<vmem>>, %arg8: memref<10000x1xf32, #tpu.memory_space<vmem>>) attributes {dimension_semantics = [], scalar_prefetch = 0 : i64, scratch_operands = 0 : i64, tpu.core_type = #tpu.core_type<tc>} {
    %get3A = arith.constant 0 : index
    %get3A_0 = arith.constant 0 : index
    %get3A_1 = arith.constant 0 : index
    %get3A_2 = vector.load %arg0[%get3A, %get3A_0, %get3A_1] : memref<2x10000x128xf32, #tpu.memory_space<vmem>>, vector<1x10000x128xf32>
    %get3A_3 = vector.shape_cast %get3A_2 : vector<1x10000x128xf32> to vector<10000x128xf32>
    %get3A_4 = arith.constant 1 : index
    %get3A_5 = arith.constant 0 : index
    %get3A_6 = arith.constant 0 : index
    %get3A_7 = vector.load %arg0[%get3A_4, %get3A_5, %get3A_6] : memref<2x10000x128xf32, #tpu.memory_space<vmem>>, vector<1x10000x128xf32>
    %get3A_8 = vector.shape_cast %get3A_7 : vector<1x10000x128xf32> to vector<10000x128xf32>
    %add3A = arith.addf %get3A_3, %get3A_8 : vector<10000x128xf32>
    %get3A_9 = arith.constant 0 : index
    %get3A_10 = arith.constant 0 : index
    %get3A_11 = vector.load %arg1[%get3A_9, %get3A_10] : memref<10000x128xf32, #tpu.memory_space<vmem>>, vector<10000x128xf32>
    %add3A_12 = arith.addf %add3A, %get3A_11 : vector<10000x128xf32>
    %get3A_13 = arith.constant 0 : index
    %get3A_14 = arith.constant 0 : index
    %get3A_15 = vector.load %arg2[%get3A_13, %get3A_14] : memref<10000x1xf32, #tpu.memory_space<vmem>>, vector<10000x1xf32>
    %mul3A = vector.broadcast %get3A_15 : vector<10000x1xf32> to vector<10000x128xf32>
    %mul3A_16 = arith.mulf %add3A_12, %mul3A : vector<10000x128xf32>
    %get3A_17 = arith.constant 0 : index
    %get3A_18 = arith.constant 0 : index
    %get3A_19 = vector.load %arg3[%get3A_17, %get3A_18] : memref<1x128xf32, #tpu.memory_space<vmem>>, vector<1x128xf32>
    %add3A_20 = vector.broadcast %get3A_19 : vector<1x128xf32> to vector<10000x128xf32>
    %add3A_21 = arith.addf %mul3A_16, %add3A_20 : vector<10000x128xf32>
    %reduce_sum3A = arith.constant dense<0.000000e+00> : vector<128xf32>
    %reduce_sum3A_22 = vector.multi_reduction <add>, %add3A_21, %reduce_sum3A [0] : vector<10000x128xf32> to vector<128xf32>
    %broadcast_in_dim3A = vector.shape_cast %reduce_sum3A_22 : vector<128xf32> to vector<1x128xf32>
    %div3A = arith.constant 1.000000e+04 : f32
    %div3A_23 = vector.broadcast %div3A : f32 to vector<1x128xf32>
    %div3A_24 = arith.divf %broadcast_in_dim3A, %div3A_23 : vector<1x128xf32>
    %sub3A = vector.broadcast %div3A_24 : vector<1x128xf32> to vector<10000x128xf32>
    %sub3A_25 = arith.subf %add3A_21, %sub3A : vector<10000x128xf32>
    %integer_pow3A = arith.mulf %sub3A_25, %sub3A_25 : vector<10000x128xf32>
    %reduce_sum3A_26 = arith.constant dense<0.000000e+00> : vector<128xf32>
    %reduce_sum3A_27 = vector.multi_reduction <add>, %integer_pow3A, %reduce_sum3A_26 [0] : vector<10000x128xf32> to vector<128xf32>
    %broadcast_in_dim3A_28 = vector.shape_cast %reduce_sum3A_27 : vector<128xf32> to vector<1x128xf32>
    %div3A_29 = arith.constant 1.000000e+04 : f32
    %div3A_30 = vector.broadcast %div3A_29 : f32 to vector<1x128xf32>
    %div3A_31 = arith.divf %broadcast_in_dim3A_28, %div3A_30 : vector<1x128xf32>
    %sub3A_32 = vector.broadcast %div3A_24 : vector<1x128xf32> to vector<10000x128xf32>
    %sub3A_33 = arith.subf %add3A_21, %sub3A_32 : vector<10000x128xf32>
    %add3A_34 = arith.constant 9.99999974E-6 : f32
    %add3A_35 = vector.broadcast %add3A_34 : f32 to vector<1x128xf32>
    %add3A_36 = arith.addf %div3A_31, %add3A_35 : vector<1x128xf32>
    %rsqrt3A = math.rsqrt %add3A_36 : vector<1x128xf32>
    %mul3A_37 = vector.broadcast %rsqrt3A : vector<1x128xf32> to vector<10000x128xf32>
    %mul3A_38 = arith.mulf %sub3A_33, %mul3A_37 : vector<10000x128xf32>
    %get3A_39 = arith.constant 0 : index
    %get3A_40 = arith.constant 0 : index
    %get3A_41 = vector.load %arg4[%get3A_39, %get3A_40] : memref<1x128xf32, #tpu.memory_space<vmem>>, vector<1x128xf32>
    %mul3A_42 = vector.broadcast %get3A_41 : vector<1x128xf32> to vector<10000x128xf32>
    %mul3A_43 = arith.mulf %mul3A_38, %mul3A_42 : vector<10000x128xf32>
    %get3A_44 = arith.constant 0 : index
    %get3A_45 = arith.constant 0 : index
    %get3A_46 = vector.load %arg5[%get3A_44, %get3A_45] : memref<1x128xf32, #tpu.memory_space<vmem>>, vector<1x128xf32>
    %add3A_47 = vector.broadcast %get3A_46 : vector<1x128xf32> to vector<10000x128xf32>
    %add3A_48 = arith.addf %mul3A_43, %add3A_47 : vector<10000x128xf32>
    %gt3A = arith.constant 0.000000e+00 : f32
    %gt3A_49 = vector.broadcast %gt3A : f32 to vector<10000x128xf32>
    %gt3A_50 = arith.cmpf ogt, %add3A_48, %gt3A_49 : vector<10000x128xf32>
    %min3A = arith.constant 0.000000e+00 : f32
    %min3A_51 = vector.broadcast %min3A : f32 to vector<10000x128xf32>
    %min3A_52 = arith.minimumf %add3A_48, %min3A_51 : vector<10000x128xf32>
    %exp3A = math.exp %min3A_52 : vector<10000x128xf32>
    %sub3A_53 = arith.constant 1.000000e+00 : f32
    %sub3A_54 = vector.broadcast %sub3A_53 : f32 to vector<10000x128xf32>
    %sub3A_55 = arith.subf %exp3A, %sub3A_54 : vector<10000x128xf32>
    %select_n3A = arith.select %gt3A_50, %add3A_48, %sub3A_55 : vector<10000x128xi1>, vector<10000x128xf32>
    %get3A_56 = arith.constant 0 : index
    %get3A_57 = arith.constant 0 : index
    %get3A_58 = vector.load %arg6[%get3A_56, %get3A_57] : memref<128x1xf32, #tpu.memory_space<vmem>>, vector<128x1xf32>
    %dot_general3A = arith.constant dense<0.000000e+00> : vector<10000x1xf32>
    %dot_general3A_59 = tpu.matmul %select_n3A, %get3A_58, %dot_general3A {dimension_numbers = #tpu.dot_dimension_numbers<[1], [0], [0], [1], [0, 0, 1, 1], [], []>, transpose_lhs_hint = false} : vector<10000x128xf32>, vector<128x1xf32>, vector<10000x1xf32> -> vector<10000x1xf32>
    %get3A_60 = arith.constant 0 : index
    %get3A_61 = arith.constant 0 : index
    %get3A_62 = vector.load %arg7[%get3A_60, %get3A_61] : memref<1x1xf32, #tpu.memory_space<vmem>>, vector<1x1xf32>
    %add3A_63 = vector.broadcast %get3A_62 : vector<1x1xf32> to vector<10000x1xf32>
    %add3A_64 = arith.addf %dot_general3A_59, %add3A_63 : vector<10000x1xf32>
    %swap3A = arith.constant 0 : index
    %swap3A_65 = arith.constant 0 : index
    %swap3A_66 = vector.load %arg8[%swap3A, %swap3A_65] : memref<10000x1xf32, #tpu.memory_space<vmem>>, vector<10000x1xf32>
    tpu.vector_store %arg8[%swap3A, %swap3A_65], %add3A_64 {strides = array<i32>} : memref<10000x1xf32, #tpu.memory_space<vmem>>, vector<10000x1xf32>,
    return
  }
}

</mosaic_0001>

<sc_bundles>
// kernel: kernel.10.cloned.1.call-start
scs
__scs_entry_jumppad:
0x0: {  	(pc) =	sbr.rel $0x88, $3  }
0x1: {  	(tag) =	ssettag $0x0;
	lr =	simm.s32 $0x1  }
0x2: {  	[smem:$0x3F8D] =	sst lr;
	_ =	strace $0xD0000000  }
0x3: {  	_ = 	snop  }
0x4: {  	_ = 	snop  }
0x5: {  	_ = 	snop  }
0x6: {  	_ = 	snop  }
0x7: {  	_ = 	snop  }
__scs_overlays_trampoline_lowered:
0x8: {  	[smem:$0x3F9C] =	sst s0  }
0x9: {  	[smem:$0x3F9D] =	sst s1  }
0xa: {  	[smem:$0x3F9E] =	sst s2  }
0xb: {  	[smem:$0x3F9F] =	sst s3  }
0xc: {  	[smem:$0x3FA0] =	sst s4  }
0xd: {  	[smem:$0x3FA1] =	sst s5  }
0xe: {  	[smem:$0x3FA2] =	sst s6  }
0xf: {  	[smem:$0x3FA3] =	sst s7  }
0x10: {  	[smem:$0x3FA4] =	sst s8  }
0x11: {  	[smem:$0x3FA5] =	sst s9;
	s0 =	simm.s32 @!p0 $0x0  }
0x12: {  	s1 =	sld [smem:$0x3F8B];
	s0 =	simm.s32 @p0 $0x1  }
0x13: {  	[smem:$0x3FA6] =	sst s0;
	s0 =	simm.s32 @!p1 $0x0  }
0x14: {  	s2 =	sld [smem:$0x3F8A];
	s0 =	simm.s32 @p1 $0x1  }
0x15: {  	[smem:$0x3FA7] =	sst s0;
	s0 =	simm.s32 @!p2 $0x0  }
0x16: {  	s3 =	sld [smem:$0x3FDB];
	s0 =	simm.s32 @p2 $0x1  }
0x17: {  	s4 =	simm.s32 $0x1BF5;
	[smem:$0x3FA9] =	sst s0  }
0x18: {  	s0 =	sld [smem:$0x3F8C];
	_ =	swait.ge [sflag:s4], $0x0  }
0x19: {  	s7 =	sld [smem:$0x3F8D]  }
0x1a: {  	s8 =	sadd.s32 $0xFFFFE003, lr  }
0x1b: {  	s9 =	sadd.s32 $0xFFFFFEF7, lr;
	s5 =	simm.s32 $0xFFFFFFFF;
	p2 =	slt.u32 s8, $0xFFFFF086  }
0x1c: {  	p1 =	slt.u32 s9, $0xF7A;
	s5 =	simm.s32 @!p2 $0x0  }
0x1d: {  	s5 =	simm.s32 @p1 $0x1;
	p0 =	seq.s32 s7, s2  }
0x1e: {  	s7 =	smul.u32 @!p0 $0xF7A, s2;
	p2 =	seq.s32 @!p0 s5, $0x0  }
0x1f: {  	s9 =	smul.u32 $0xF7A, s1;
	s8 =	simm.s32 @!p0 $0x1BF5;
	p2 =	por !p2, p0  }
0x20: {  	[sflag:s8] =	ssyncset.s32 @!p0 $0xFFFFF086;
	s6 =	sadd.s32 @!p0 s3, s7;
	s7 =	simm.s32 @!p0 $0x108  }
0x21: {  	s3 =	sadd.s32 s3, s9;
	s6 =	sadd.s32 @!p0 $0x88, s6;
	s7 =	simm.s32 @p2 $0x1082  }
0x22: {  	[simem:s7], [sflag:s8] =	dma.local @!p0 [hbm:s6], $0xF7A  }
0x23: {  	s9 =	sor.u32 $0xD0000000, s2;
	s6 =	simm.s32 $0x108;
	_ =	swait.ge @!p0 [sflag:s8], $0x0  }
0x24: {  	s3 =	sadd.s32 $0x88, s3;
	s6 =	simm.s32 @!p1 $0x1082;
	[sflag:s4] =	ssyncset.s32 $0xFFFFF086  }
0x25: {  	[simem:s6], [sflag:s4] =	dma.local [hbm:s3], $0xF7A  }
0x26: {  	[smem:$0x3F8D] =	sst s1;
	(tag) =	ssettag s2;
	_ =	strace s9  }
0x27: {  	s1 =	sld [smem:$0x3F9D]  }
0x28: {  	s2 =	sld [smem:$0x3F9E]  }
0x29: {  	s4 =	sld [smem:$0x3FA0]  }
0x2a: {  	p0 =	seq.s32 s5, $0x0;
	s5 =	sld [smem:$0x3FA1]  }
0x2b: {  	s6 =	sld [smem:$0x3FA2]  }
0x2c: {  	s7 =	sld [smem:$0x3FA3]  }
0x2d: {  	s3 =	simm.s32 $0x108;
	s8 =	sld [smem:$0x3FA4]  }
0x2e: {  	s3 =	simm.s32 @!p0 $0x1082;
	s9 =	sld [smem:$0x3FA5]  }
0x2f: {  	lr =	sadd.s32 s0, s3;
	s0 =	sld [smem:$0x3F9C]  }
0x30: {  	s3 =	sld [smem:$0x3F9F]  }
0x31: {  	[smem:$0x3FA8] =	sst s10  }
0x32: {  	s10 =	sld [smem:$0x3FA6];
	_ =	sdelay $0x3  }
0x33: {  	p0 =	seq.s32 s10, $0x1;
	s10 =	sld [smem:$0x3FA8];
	_ =	sdelay $0x3  }
0x34: {  	[smem:$0x3FA8] =	sst s10  }
0x35: {  	s10 =	sld [smem:$0x3FA7];
	_ =	sdelay $0x3  }
0x36: {  	p1 =	seq.s32 s10, $0x1;
	s10 =	sld [smem:$0x3FA8];
	_ =	sdelay $0x3  }
0x37: {  	[smem:$0x3FA8] =	sst s10  }
0x38: {  	s10 =	sld [smem:$0x3FA9]  }
0x39: {  	_ = 	snop;
	(pc) =	sbr.ind lr, $3  }
0x3a: {  	_ = 	snop  }
0x3b: {  	_ = 	snop  }
0x3c: {  	p2 =	seq.s32 s10, $0x1;
	s10 =	sld [smem:$0x3FA8]  }
0x3d: {  	_ =	shalt  }
0x3e: {  	_ =	shalt  }
0x3f: {  	_ =	shalt  }
0x40: {  	_ =	shalt  }
0x41: {  	_ =	shalt  }
0x42: {  	_ =	shalt  }
0x43: {  	_ =	shalt  }
0x44: {  	_ =	shalt  }
0x45: {  	_ =	shalt  }
0x46: {  	_ =	shalt  }
0x47: {  	_ =	shalt  }
0x48: {  	_ =	shalt  }
0x49: {  	_ =	shalt  }
0x4a: {  	_ =	shalt  }
0x4b: {  	_ =	shalt  }
0x4c: {  	_ =	shalt  }
0x4d: {  	_ =	shalt  }
0x4e: {  	_ =	shalt  }
0x4f: {  	_ =	shalt  }
0x50: {  	_ =	shalt  }
0x51: {  	_ =	shalt  }
0x52: {  	_ =	shalt  }
0x53: {  	_ =	shalt  }
0x54: {  	_ =	shalt  }
0x55: {  	_ =	shalt  }
0x56: {  	_ =	shalt  }
0x57: {  	_ =	shalt  }
0x58: {  	_ =	shalt  }
0x59: {  	_ =	shalt  }
0x5a: {  	_ =	shalt  }
0x5b: {  	_ =	shalt  }
0x5c: {  	_ =	shalt  }
0x5d: {  	_ =	shalt  }
0x5e: {  	_ =	shalt  }
0x5f: {  	_ =	shalt  }
0x60: {  	_ =	shalt  }
0x61: {  	_ =	shalt  }
0x62: {  	_ =	shalt  }
0x63: {  	_ =	shalt  }
0x64: {  	_ =	shalt  }
0x65: {  	_ =	shalt  }
0x66: {  	_ =	shalt  }
0x67: {  	_ =	shalt  }
0x68: {  	_ =	shalt  }
0x69: {  	_ =	shalt  }
0x6a: {  	_ =	shalt  }
0x6b: {  	_ =	shalt  }
0x6c: {  	_ =	shalt  }
0x6d: {  	_ =	shalt  }
0x6e: {  	_ =	shalt  }
0x6f: {  	_ =	shalt  }
0x70: {  	_ =	shalt  }
0x71: {  	_ =	shalt  }
0x72: {  	_ =	shalt  }
0x73: {  	_ =	shalt  }
0x74: {  	_ =	shalt  }
0x75: {  	_ =	shalt  }
0x76: {  	_ =	shalt  }
0x77: {  	_ =	shalt  }
0x78: {  	_ =	shalt  }
0x79: {  	_ =	shalt  }
0x7a: {  	_ =	shalt  }
0x7b: {  	_ =	shalt  }
0x7c: {  	_ =	shalt  }
0x7d: {  	_ =	shalt  }
0x7e: {  	_ =	shalt  }
0x7f: {  	_ =	shalt  }
0x80: {  	_ =	shalt  }
0x81: {  	_ =	shalt  }
0x82: {  	_ =	shalt  }
0x83: {  	_ =	shalt  }
0x84: {  	_ =	shalt  }
0x85: {  	_ =	shalt  }
0x86: {  	_ =	shalt  }
0x87: {  	_ =	shalt  }
.Lfunc_end0:
.L_simem_size_0:
called_computation_lowered:
.L_overlay_start_0:
0x88: {  	s2 =	sld [smem:$0x3FD9]  }
0x89: {  	s3 =	sld [smem:$0x3FFE];
	_ =	sdelay $0x1  }
0x8a: {  	s1 =	srdreg.scid  }
0x8b: {  	s0 =	sand.u32 $0x1, s1  }
0x8c: {  	s16 =	sshll.u32 s0, $0xA;
	s2 =	sadd.s32 s3, s2  }
0x8d: {  	s2 =	sadd.s32 s2, s16  }
0x8e: {  	[smem:$0x3FB4] =	sst s2  }
0x8f: {  	_ = 	snop  }
0x90: {  	(tm) =	ssettm $0x1  }
0x91: {  	s17 =	sld [smem:$0x3FFB];
	_ =	sdelay $0x3  }
0x92: {  	_ =	strace s17  }
0x93: {  	s2 =	sld [smem:$0x3FFC];
	_ =	sdelay $0x3  }
0x94: {  	_ =	strace s2  }
0x95: {  	s2 =	sld [smem:$0x3FFD];
	_ =	sdelay $0x3  }
0x96: {  	_ =	strace s2  }
0x97: {  	_ =	strace $0x8FFFFFFF  }
0x98: {  	s18 =	sld [smem:$0x3FDB];
	_ =	sdelay $0x1  }
0x99: {  	s19 =	simm.s32 $_scs_section_size  }
0x9a: {  	s4 =	simm.s32 $_size__tile_overlayer_lowered;
	s5 =	simm.s32 $_tile_overlayer_lowered  }
0x9b: {  	s22 =	simm.s32 $0x1BFF;
	s21 =	sshll.u32 s5, $0x1;
	s2 =	sadd.s32 s19, s18  }
0x9c: {  	s6 =	simm.s32 $0x0;
	s20 =	sshll.u32 s4, $0x1;
	s4 =	sadd.s32 s21, s2  }
0x9d: {  	[timem:s6], [sflag:s22] =	dma.local [hbm:s4], s20  }
0x9e: {  	_ =	swait.ge [sflag:s22], s20  }
0x9f: {  	s3 =	ssub.s32 $0x0, s20;
	[sflag:s22] =	ssyncset.done $0x0  }
0xa0: {  	[sflag:s22] =	ssyncadd.s32 s3;
	_ =	sdelay $0x1  }
0xa1: {  	s23 =	simm.s32 $0x1B8B  }
0xa2: {  	_ =	swait.ge [sflag:s23], $0x1  }
0xa3: {  	[sflag:s23] =	ssyncset.done $0x0  }
0xa4: {  	s25 =	simm.s32 $0x1B8E;
	s24 =	sld [smem:$0x3FFE];
	[sflag:s23] =	ssyncadd.s32 $0xFFFFFFFF  }
0xa5: {  	s26 =	simm.s32 $execute0_lowered;
	[smem:$0x3FD2] =	sst s25  }
0xa6: {  	s4 =	sshll.u32 s26, $0x1;
	_ =	strace $0x80000046;
	[dreg:$0x1] =	wrdreg $0xFFFFFFFF  }
0xa7: {  	s28 =	simm.s32 $_size_execute0_lowered;
	s2 =	sadd.s32 s2, s4;
	[dreg:$0x0] =	wrdreg $0x0  }
0xa8: {  	s4 =	sshll.u32 s28, $0x1;
	[dreg:$0x2] =	wrdreg s2  }
0xa9: {  	[dreg:$0x3] =	wrdreg s4  }
0xaa: {  	[dreg:$0x4] =	wrdreg $0xC0  }
0xab: {  	_ =	task [dreg:s6], $0x5FFFF  }
0xac: {  	[dreg:$0x1] =	wrdreg $0xFFFFFFFF  }
0xad: {  	[dreg:$0x0] =	wrdreg $0x60  }
0xae: {  	[dreg:$0x2] =	wrdreg s24  }
0xaf: {  	[dreg:$0x3] =	wrdreg $0x90000  }
0xb0: {  	[dreg:$0x4] =	wrdreg $0x9  }
0xb1: {  	_ =	task.clear_ibuf [dreg:s6], $0x5FFFF;
	_ =	strace $0x90000046  }
0xb2: {  	s29 =	simm.s32 $0x9;
	_ =	strace $0x80000048  }
0xb3: {  	_ =	swait.ge [sflag:s29], $0x1  }
0xb4: {  	[sflag:s29] =	ssyncadd.s32 $0xFFFFFFFF  }
0xb5: {  	_ =	strace $0x90000048  }
0xb6: {  	_ =	sfence  }
0xb7: {  	s30 =	sld [smem:$0x0];
	_ =	sdelay $0x2  }
0xb8: {  	s31 =	sshll.u32 s1, $0xD;
	s1 =	sshrl.u32 s1, $0x2  }
0xb9: {  	s3 =	sand.u32 $0x4000, s31;
	s1 =	sadd.s32 s1, s30  }
0xba: {  	s0 =	sor.u32 s3, s0;
	s1 =	sshll.u32 s1, $0x11  }
0xbb: {  	s0 =	sor.u32 s1, s0  }
0xbc: {  	s0 =	sadd.s32 $0x8F2B, s0  }
0xbd: {  	[sflag:s0] =	ssyncadd.remote.s32 $0x1  }
0xbe: {  	_ =	sfence.sel $0xFFFF  }
0xbf: {  	[dreg:$0x0] =	wrdreg $0xFFFFFFFF;
	(pc) =	sbr.abs _section_cstart, $3  }
0xc0: {  	[dreg:$0x1] =	wrdreg $0xFFFFFFFF  }
0xc1: {  	_ =	task.clear_ibuf [dreg:s6], $0x2FFFF;
	_ =	strace $0x9FFFFFFF  }
0xc2: {  	(tm) =	ssettm $0x7FFFFFFF  }
0xc3: {  	_ =	shalt  }
tec
execute0_lowered:
.L_overlay_start_1:
0x0: {  	(tag) =	ssettag $0x1  }
0x1: {  	s6 =	rddreg [dreg:$0x0]  }
0x2: {  	s0 =	srdreg.scid;
	s2 =	rddreg [dreg:$0x1];
	s3 =	simm.s32 $0x0  }
0x3: {  	s14 =	simm.s32 $0x7D;
	s5 =	sand.u32 $0x1, s0;
	s0 =	stileid.u32  }
0x4: {  	s15 =	simm.s32 $0x5000;
	s16 =	simm.s32 $0x0;
	s8 =	smul.u32 $0x14000, s0  }
0x5: {  	[smem:$0x7FF] =	sst s3;
	s4 =	sadd.s32 $0x40600, s6;
	s9 =	smul.u32 $0x140000, s5  }
0x6: {  	s1 =	sshll.u32 s5, $0x4;
	s28 =	smul.u32 $0x50000, s0;
	s5 =	ssub.s32 $0x2, s5  }
0x7: {  	s31 =	sshll.u32 s0, $0x6;
	s1 =	sor.u32 s0, s1;
	s29 =	sshrl.u32 s5, $0x1  }
0x8: {  	s7 =	smul.u32 $0x500, s1;
	s1 =	rddreg [dreg:$0x2];
	_ =	strace $0x80000047  }
0x9: {  	s26 =	sshrl.u32 s8, $0x3;
	s8 =	sadd.s32 s8, s9;
	s30 =	sshrl.u32 s28, $0x2  }
0xa: {  	s12 =	ssub.s32 s5, s29;
	s8 =	sshrl.u32 s8, $0x3;
	s13 =	sadd.s32 s30, s2  }
0xb: {  	s10 =	sadd.s32 s7, s6;
	s7 =	sadd.s32 s26, s6;
	s11 =	sadd.s32 s8, s6  }
0xc: {  	s6 =	sor.u32 $0x1C01, s31;
	s5 =	sadd.s32 $0x18600, s7;
	s7 =	sadd.s32 $0x4600, s10  }
0xd: {  	s8 =	sadd.s32 $0xE600, s10;
	s9 =	sadd.s32 $0x67800, s11;
	s10 =	smax.u32 s12, $0x1  }
0xe: {  	s11 =	sshrl.u32 s13, $0x3;
	s12 =	simm.s32 $0x1;
	s13 =	simm.s32 $0x2800  }
.LBB2_1:
0xf: {  	[spmem:s11], [sflag:s6] =	dma.local [hbm:s5], $0x2800  }
0x10: {  	_ =	swait.ge [sflag:s12], $0x2800  }
0x11: {  	[sflag:s12] =	ssyncset.done $0x0  }
0x12: {  	[sflag:s12] =	ssyncadd.s32 $0xFFFFD800  }
0x13: {  	[tilespmem:s3], [sflag:$0x1] =	stream.linear.gather [hbm4b:s7+s3], $0x2800, $0x38;
	[tilespmem:$0x1D000] =	vst v63  }
0x14: {  	_ =	swait.ge [sflag:s12], $0x2800  }
0x15: {  	[sflag:s12] =	ssyncset.done $0x0  }
0x16: {  	[sflag:s12] =	ssyncadd.s32 $0xFFFFD800  }
0x17: {  	[tilespmem:s13], [sflag:$0x1] =	stream.linear.gather [hbm4b:s8+s3], $0x2800, $0x38;
	[tilespmem:$0x1D000] =	vst v63  }
0x18: {  	_ =	swait.ge [sflag:s12], $0x2800  }
0x19: {  	[sflag:s12] =	ssyncset.done $0x0  }
0x1a: {  	[sflag:s12] =	ssyncadd.s32 $0xFFFFD800  }
0x1b: {  	s17 =	simm.s32 $0x0;
	[bflag:$0x0] =	sbarrier.arrive $0xFFFF  }
0x1c: {  	[tilespmem:s15], [sflag:$0x1] =	stream.indirect.gather [hbm4b:s4+s14], $0x80, s17, s14, $0xb8;
	[tilespmem:$0x1D000] =	vst v63  }
0x1d: {  	_ =	swait.ge [sflag:s12], $0x3E80  }
0x1e: {  	[sflag:s12] =	ssyncset.done $0x0  }
0x1f: {  	s31 =	simm.s32 $0x2800;
	[sflag:s12] =	ssyncadd.s32 $0xFFFFC180  }
0x20: {  	[spmem:s2] =	stream.indirect.scatter.add.f32 [tilespmem:s15], [sflag:$0x1], $0x80, s31, s14, $0xb8;
	[tilespmem:$0x1D000] =	vst v63  }
0x21: {  	_ =	swait.ge [sflag:s12], $0x3E80  }
0x22: {  	s18 =	simm.s32 $0x400;
	s17 =	simm.s32 $0x200;
	[sflag:s12] =	ssyncset.done $0x0  }
.LBB2_2:
0x23: {  	s19 =	sshra.s32 s17, $0x2  }
0x24: {  	[sflag:s12] =	ssyncadd.s32 $0xFFFFC180;
	s17 =	smov.u32 s18;
	s20 =	sadd.s32 $0x200, s18  }
0x25: {  	[tilespmem:s15], [sflag:$0x1] =	stream.indirect.gather [hbm4b:s4+s14], $0x80, s19, s14, $0xb8;
	[tilespmem:$0x1D000] =	vst v63  }
0x26: {  	p0 =	sne.s32 s18, $0x9E00;
	_ =	swait.ge [sflag:s12], $0x3E80  }
.Ltmp0:
0x27: {  	[sflag:s12] =	ssyncset.done $0x0;
	(pc) =	sbr.rel @p0 .LBB2_2-.Ltmp0, $4  }
0x28: {  	s18 =	sadd.s32 $0x2800, s19;
	[sflag:s12] =	ssyncadd.s32 $0xFFFFC180  }
0x29: {  	[spmem:s2] =	stream.indirect.scatter.add.f32 [tilespmem:s15], [sflag:$0x1], $0x80, s18, s14, $0xb8;
	[tilespmem:$0x1D000] =	vst v63  }
0x2a: {  	_ =	swait.ge [sflag:s12], $0x3E80  }
0x2b: {  	s18 =	smov.u32 s20;
	[sflag:s12] =	ssyncset.done $0x0  }
0x2c: {  	s17 =	sshra.s32 s17, $0x2;
	[sflag:s12] =	ssyncadd.s32 $0xFFFFC180  }
0x2d: {  	[tilespmem:s15], [sflag:$0x1] =	stream.indirect.gather [hbm4b:s4+s14], $0x80, s17, s14, $0xb8;
	[tilespmem:$0x1D000] =	vst v63  }
0x2e: {  	_ =	swait.ge [sflag:s12], $0x3E80  }
0x2f: {  	[sflag:s12] =	ssyncset.done $0x0  }
0x30: {  	s17 =	sadd.s32 $0x2800, s17;
	[sflag:s12] =	ssyncadd.s32 $0xFFFFC180  }
0x31: {  	[spmem:s2] =	stream.indirect.scatter.add.f32 [tilespmem:s15], [sflag:$0x1], $0x80, s17, s14, $0xb8;
	[tilespmem:$0x1D000] =	vst v63  }
0x32: {  	_ =	swait.ge [sflag:s12], $0x3E80  }
0x33: {  	s16 =	sadd.s32 $0x1, s16;
	[sflag:s12] =	ssyncset.done $0x0  }
0x34: {  	p0 =	sne.s32 s16, s10;
	[sflag:s12] =	ssyncadd.s32 $0xFFFFC180  }
.Ltmp1:
0x35: {  	[bflag:$0x0] =	sbarrier.arrive $0xFFFF;
	(pc) =	sbr.rel @p0 .LBB2_1-.Ltmp1, $4  }
0x36: {  	[hbm:s9], [sflag:s6] =	dma.local [spmem:s11], $0x2800  }
0x37: {  	_ =	swait.ge [sflag:s12], $0x2800  }
0x38: {  	[sflag:s12] =	ssyncset.done $0x0  }
0x39: {  	[sflag:s12] =	ssyncadd.s32 $0xFFFFD800  }
0x3a: {  	_ =	sfence.sel $0x180000  }
0x3b: {  	[bflag:$0x0] =	sbarrier.arrive $0xFFFF  }
0x3c: {  	p0 =	sne.s32 s0, $0x0;
	_ =	strace $0x90000047  }
0x3d: {  	s0 =	sadd.s32 @!p0 $0x100000, s1;
	[bflag:$0x2] =	sbarrier.arrive $0xFFFF  }
0x3e: {  	[sflag:s0] =	ssyncadd.tile.s32 @!p0 $0x1;
	_ =	shalt  }
.Lfunc_end2:
_tile_overlayer_lowered:
.L_overlay_start_2:
0x3f: {  	(tag) =	ssettag $0x2  }
0x40: {  	s0 =	rddreg [dreg:$0x0];
	s2 =	stileid.u32  }
0x41: {  	s1 =	rddreg [dreg:$0x1];
	p0 =	sne.s32 s2, $0x0  }
0x42: {  	s3 =	rddreg [dreg:$0x2];
	[bflag:$0x3] =	sbarrier.arrive $0xFFFF;
	s2 =	simm.s32 @!p0 $0x1C01  }
0x43: {  	[timem:s3], [sflag:s2] =	dma.local @!p0 [hbm:s0], s1  }
0x44: {  	s0 =	simm.s32 @!p0 $0x1  }
0x45: {  	_ =	swait.ge @!p0 [sflag:s0], s1  }
0x46: {  	s1 =	ssub.s32 @!p0 $0x0, s1;
	[sflag:s0] =	ssyncset.done @!p0 $0x0  }
0x47: {  	[sflag:s0] =	ssyncadd.s32 @!p0 s1  }
0x48: {  	[bflag:$0x3] =	sbarrier.arrive $0xFFFF  }
0x49: {  	_ =	shalt  }

// kernel: kernel.13.cloned.1.call-start
scs
__scs_entry_jumppad:
0x0: {  	(pc) =	sbr.rel $0x88, $3  }
0x1: {  	(tag) =	ssettag $0x0;
	lr =	simm.s32 $0x1  }
0x2: {  	[smem:$0x3F8D] =	sst lr;
	_ =	strace $0xD0000000  }
0x3: {  	_ = 	snop  }
0x4: {  	_ = 	snop  }
0x5: {  	_ = 	snop  }
0x6: {  	_ = 	snop  }
0x7: {  	_ = 	snop  }
__scs_overlays_trampoline_lowered:
0x8: {  	[smem:$0x3F9C] =	sst s0  }
0x9: {  	[smem:$0x3F9D] =	sst s1  }
0xa: {  	[smem:$0x3F9E] =	sst s2  }
0xb: {  	[smem:$0x3F9F] =	sst s3  }
0xc: {  	[smem:$0x3FA0] =	sst s4  }
0xd: {  	[smem:$0x3FA1] =	sst s5  }
0xe: {  	[smem:$0x3FA2] =	sst s6  }
0xf: {  	[smem:$0x3FA3] =	sst s7  }
0x10: {  	[smem:$0x3FA4] =	sst s8  }
0x11: {  	[smem:$0x3FA5] =	sst s9;
	s0 =	simm.s32 @!p0 $0x0  }
0x12: {  	s1 =	sld [smem:$0x3F8B];
	s0 =	simm.s32 @p0 $0x1  }
0x13: {  	[smem:$0x3FA6] =	sst s0;
	s0 =	simm.s32 @!p1 $0x0  }
0x14: {  	s2 =	sld [smem:$0x3F8A];
	s0 =	simm.s32 @p1 $0x1  }
0x15: {  	[smem:$0x3FA7] =	sst s0;
	s0 =	simm.s32 @!p2 $0x0  }
0x16: {  	s3 =	sld [smem:$0x3FDB];
	s0 =	simm.s32 @p2 $0x1  }
0x17: {  	s4 =	simm.s32 $0x1BF5;
	[smem:$0x3FA9] =	sst s0  }
0x18: {  	s0 =	sld [smem:$0x3F8C];
	_ =	swait.ge [sflag:s4], $0x0  }
0x19: {  	s7 =	sld [smem:$0x3F8D]  }
0x1a: {  	s8 =	sadd.s32 $0xFFFFE003, lr  }
0x1b: {  	s9 =	sadd.s32 $0xFFFFFEF7, lr;
	s5 =	simm.s32 $0xFFFFFFFF;
	p2 =	slt.u32 s8, $0xFFFFF086  }
0x1c: {  	p1 =	slt.u32 s9, $0xF7A;
	s5 =	simm.s32 @!p2 $0x0  }
0x1d: {  	s5 =	simm.s32 @p1 $0x1;
	p0 =	seq.s32 s7, s2  }
0x1e: {  	s7 =	smul.u32 @!p0 $0xF7A, s2;
	p2 =	seq.s32 @!p0 s5, $0x0  }
0x1f: {  	s9 =	smul.u32 $0xF7A, s1;
	s8 =	simm.s32 @!p0 $0x1BF5;
	p2 =	por !p2, p0  }
0x20: {  	[sflag:s8] =	ssyncset.s32 @!p0 $0xFFFFF086;
	s6 =	sadd.s32 @!p0 s3, s7;
	s7 =	simm.s32 @!p0 $0x108  }
0x21: {  	s3 =	sadd.s32 s3, s9;
	s6 =	sadd.s32 @!p0 $0x88, s6;
	s7 =	simm.s32 @p2 $0x1082  }
0x22: {  	[simem:s7], [sflag:s8] =	dma.local @!p0 [hbm:s6], $0xF7A  }
0x23: {  	s9 =	sor.u32 $0xD0000000, s2;
	s6 =	simm.s32 $0x108;
	_ =	swait.ge @!p0 [sflag:s8], $0x0  }
0x24: {  	s3 =	sadd.s32 $0x88, s3;
	s6 =	simm.s32 @!p1 $0x1082;
	[sflag:s4] =	ssyncset.s32 $0xFFFFF086  }
0x25: {  	[simem:s6], [sflag:s4] =	dma.local [hbm:s3], $0xF7A  }
0x26: {  	[smem:$0x3F8D] =	sst s1;
	(tag) =	ssettag s2;
	_ =	strace s9  }
0x27: {  	s1 =	sld [smem:$0x3F9D]  }
0x28: {  	s2 =	sld [smem:$0x3F9E]  }
0x29: {  	s4 =	sld [smem:$0x3FA0]  }
0x2a: {  	p0 =	seq.s32 s5, $0x0;
	s5 =	sld [smem:$0x3FA1]  }
0x2b: {  	s6 =	sld [smem:$0x3FA2]  }
0x2c: {  	s7 =	sld [smem:$0x3FA3]  }
0x2d: {  	s3 =	simm.s32 $0x108;
	s8 =	sld [smem:$0x3FA4]  }
0x2e: {  	s3 =	simm.s32 @!p0 $0x1082;
	s9 =	sld [smem:$0x3FA5]  }
0x2f: {  	lr =	sadd.s32 s0, s3;
	s0 =	sld [smem:$0x3F9C]  }
0x30: {  	s3 =	sld [smem:$0x3F9F]  }
0x31: {  	[smem:$0x3FA8] =	sst s10  }
0x32: {  	s10 =	sld [smem:$0x3FA6];
	_ =	sdelay $0x3  }
0x33: {  	p0 =	seq.s32 s10, $0x1;
	s10 =	sld [smem:$0x3FA8];
	_ =	sdelay $0x3  }
0x34: {  	[smem:$0x3FA8] =	sst s10  }
0x35: {  	s10 =	sld [smem:$0x3FA7];
	_ =	sdelay $0x3  }
0x36: {  	p1 =	seq.s32 s10, $0x1;
	s10 =	sld [smem:$0x3FA8];
	_ =	sdelay $0x3  }
0x37: {  	[smem:$0x3FA8] =	sst s10  }
0x38: {  	s10 =	sld [smem:$0x3FA9]  }
0x39: {  	_ = 	snop;
	(pc) =	sbr.ind lr, $3  }
0x3a: {  	_ = 	snop  }
0x3b: {  	_ = 	snop  }
0x3c: {  	p2 =	seq.s32 s10, $0x1;
	s10 =	sld [smem:$0x3FA8]  }
0x3d: {  	_ =	shalt  }
0x3e: {  	_ =	shalt  }
0x3f: {  	_ =	shalt  }
0x40: {  	_ =	shalt  }
0x41: {  	_ =	shalt  }
0x42: {  	_ =	shalt  }
0x43: {  	_ =	shalt  }
0x44: {  	_ =	shalt  }
0x45: {  	_ =	shalt  }
0x46: {  	_ =	shalt  }
0x47: {  	_ =	shalt  }
0x48: {  	_ =	shalt  }
0x49: {  	_ =	shalt  }
0x4a: {  	_ =	shalt  }
0x4b: {  	_ =	shalt  }
0x4c: {  	_ =	shalt  }
0x4d: {  	_ =	shalt  }
0x4e: {  	_ =	shalt  }
0x4f: {  	_ =	shalt  }
0x50: {  	_ =	shalt  }
0x51: {  	_ =	shalt  }
0x52: {  	_ =	shalt  }
0x53: {  	_ =	shalt  }
0x54: {  	_ =	shalt  }
0x55: {  	_ =	shalt  }
0x56: {  	_ =	shalt  }
0x57: {  	_ =	shalt  }
0x58: {  	_ =	shalt  }
0x59: {  	_ =	shalt  }
0x5a: {  	_ =	shalt  }
0x5b: {  	_ =	shalt  }
0x5c: {  	_ =	shalt  }
0x5d: {  	_ =	shalt  }
0x5e: {  	_ =	shalt  }
0x5f: {  	_ =	shalt  }
0x60: {  	_ =	shalt  }
0x61: {  	_ =	shalt  }
0x62: {  	_ =	shalt  }
0x63: {  	_ =	shalt  }
0x64: {  	_ =	shalt  }
0x65: {  	_ =	shalt  }
0x66: {  	_ =	shalt  }
0x67: {  	_ =	shalt  }
0x68: {  	_ =	shalt  }
0x69: {  	_ =	shalt  }
0x6a: {  	_ =	shalt  }
0x6b: {  	_ =	shalt  }
0x6c: {  	_ =	shalt  }
0x6d: {  	_ =	shalt  }
0x6e: {  	_ =	shalt  }
0x6f: {  	_ =	shalt  }
0x70: {  	_ =	shalt  }
0x71: {  	_ =	shalt  }
0x72: {  	_ =	shalt  }
0x73: {  	_ =	shalt  }
0x74: {  	_ =	shalt  }
0x75: {  	_ =	shalt  }
0x76: {  	_ =	shalt  }
0x77: {  	_ =	shalt  }
0x78: {  	_ =	shalt  }
0x79: {  	_ =	shalt  }
0x7a: {  	_ =	shalt  }
0x7b: {  	_ =	shalt  }
0x7c: {  	_ =	shalt  }
0x7d: {  	_ =	shalt  }
0x7e: {  	_ =	shalt  }
0x7f: {  	_ =	shalt  }
0x80: {  	_ =	shalt  }
0x81: {  	_ =	shalt  }
0x82: {  	_ =	shalt  }
0x83: {  	_ =	shalt  }
0x84: {  	_ =	shalt  }
0x85: {  	_ =	shalt  }
0x86: {  	_ =	shalt  }
0x87: {  	_ =	shalt  }
.Lfunc_end0:
.L_simem_size_0:
called_computation.1_lowered:
.L_overlay_start_0:
0x88: {  	s2 =	sld [smem:$0x3FD9]  }
0x89: {  	s3 =	sld [smem:$0x3FFE];
	_ =	sdelay $0x1  }
0x8a: {  	s1 =	srdreg.scid  }
0x8b: {  	s0 =	sand.u32 $0x1, s1  }
0x8c: {  	s16 =	sshll.u32 s0, $0xA;
	s2 =	sadd.s32 s3, s2  }
0x8d: {  	s2 =	sadd.s32 s2, s16  }
0x8e: {  	[smem:$0x3FB4] =	sst s2  }
0x8f: {  	_ = 	snop  }
0x90: {  	(tm) =	ssettm $0x1  }
0x91: {  	s17 =	sld [smem:$0x3FFB];
	_ =	sdelay $0x3  }
0x92: {  	_ =	strace s17  }
0x93: {  	s2 =	sld [smem:$0x3FFC];
	_ =	sdelay $0x3  }
0x94: {  	_ =	strace s2  }
0x95: {  	s2 =	sld [smem:$0x3FFD];
	_ =	sdelay $0x3  }
0x96: {  	_ =	strace s2  }
0x97: {  	_ =	strace $0x8FFFFFFF  }
0x98: {  	s18 =	sld [smem:$0x3FDB];
	_ =	sdelay $0x1  }
0x99: {  	s19 =	simm.s32 $_scs_section_size  }
0x9a: {  	s4 =	simm.s32 $_size__tile_overlayer_lowered;
	s5 =	simm.s32 $_tile_overlayer_lowered  }
0x9b: {  	s22 =	simm.s32 $0x1BFF;
	s21 =	sshll.u32 s5, $0x1;
	s2 =	sadd.s32 s19, s18  }
0x9c: {  	s6 =	simm.s32 $0x0;
	s20 =	sshll.u32 s4, $0x1;
	s4 =	sadd.s32 s21, s2  }
0x9d: {  	[timem:s6], [sflag:s22] =	dma.local [hbm:s4], s20  }
0x9e: {  	_ =	swait.ge [sflag:s22], s20  }
0x9f: {  	s3 =	ssub.s32 $0x0, s20;
	[sflag:s22] =	ssyncset.done $0x0  }
0xa0: {  	[sflag:s22] =	ssyncadd.s32 s3;
	_ =	sdelay $0x1  }
0xa1: {  	s23 =	simm.s32 $0x1B8B  }
0xa2: {  	_ =	swait.ge [sflag:s23], $0x1  }
0xa3: {  	[sflag:s23] =	ssyncset.done $0x0  }
0xa4: {  	s25 =	simm.s32 $0x1B8E;
	s24 =	sld [smem:$0x3FFE];
	[sflag:s23] =	ssyncadd.s32 $0xFFFFFFFF  }
0xa5: {  	s26 =	simm.s32 $execute0_lowered;
	[smem:$0x3FD2] =	sst s25  }
0xa6: {  	s4 =	sshll.u32 s26, $0x1;
	_ =	strace $0x80000049;
	[dreg:$0x1] =	wrdreg $0xFFFFFFFF  }
0xa7: {  	s28 =	simm.s32 $_size_execute0_lowered;
	s2 =	sadd.s32 s2, s4;
	[dreg:$0x0] =	wrdreg $0x0  }
0xa8: {  	s4 =	sshll.u32 s28, $0x1;
	[dreg:$0x2] =	wrdreg s2  }
0xa9: {  	[dreg:$0x3] =	wrdreg s4  }
0xaa: {  	[dreg:$0x4] =	wrdreg $0xC0  }
0xab: {  	_ =	task [dreg:s6], $0x5FFFF  }
0xac: {  	[dreg:$0x1] =	wrdreg $0xFFFFFFFF  }
0xad: {  	[dreg:$0x0] =	wrdreg $0x60  }
0xae: {  	[dreg:$0x2] =	wrdreg s24  }
0xaf: {  	[dreg:$0x3] =	wrdreg $0x90000  }
0xb0: {  	[dreg:$0x4] =	wrdreg $0x9  }
0xb1: {  	_ =	task.clear_ibuf [dreg:s6], $0x5FFFF;
	_ =	strace $0x90000049  }
0xb2: {  	s29 =	simm.s32 $0x9;
	_ =	strace $0x8000004B  }
0xb3: {  	_ =	swait.ge [sflag:s29], $0x1  }
0xb4: {  	[sflag:s29] =	ssyncadd.s32 $0xFFFFFFFF  }
0xb5: {  	_ =	strace $0x9000004B  }
0xb6: {  	_ =	sfence  }
0xb7: {  	s30 =	sld [smem:$0x0];
	_ =	sdelay $0x2  }
0xb8: {  	s31 =	sshll.u32 s1, $0xD;
	s1 =	sshrl.u32 s1, $0x2  }
0xb9: {  	s3 =	sand.u32 $0x4000, s31;
	s1 =	sadd.s32 s1, s30  }
0xba: {  	s0 =	sor.u32 s3, s0;
	s1 =	sshll.u32 s1, $0x11  }
0xbb: {  	s0 =	sor.u32 s1, s0  }
0xbc: {  	s0 =	sadd.s32 $0x8F2B, s0  }
0xbd: {  	[sflag:s0] =	ssyncadd.remote.s32 $0x1  }
0xbe: {  	_ =	sfence.sel $0xFFFF  }
0xbf: {  	[dreg:$0x0] =	wrdreg $0xFFFFFFFF;
	(pc) =	sbr.abs _section_cstart, $3  }
0xc0: {  	[dreg:$0x1] =	wrdreg $0xFFFFFFFF  }
0xc1: {  	_ =	task.clear_ibuf [dreg:s6], $0x2FFFF;
	_ =	strace $0x9FFFFFFF  }
0xc2: {  	(tm) =	ssettm $0x7FFFFFFF  }
0xc3: {  	_ =	shalt  }
tec
execute0_lowered:
.L_overlay_start_1:
0x0: {  	(tag) =	ssettag $0x1  }
0x1: {  	s6 =	rddreg [dreg:$0x0]  }
0x2: {  	s0 =	srdreg.scid;
	s2 =	rddreg [dreg:$0x1];
	s3 =	simm.s32 $0x0  }
0x3: {  	s14 =	simm.s32 $0x7D;
	s5 =	sand.u32 $0x1, s0;
	s0 =	stileid.u32  }
0x4: {  	s15 =	simm.s32 $0x5000;
	s16 =	simm.s32 $0x0;
	s8 =	smul.u32 $0x14000, s0  }
0x5: {  	[smem:$0x7FF] =	sst s3;
	s4 =	sadd.s32 $0x40600, s6;
	s9 =	smul.u32 $0x140000, s5  }
0x6: {  	s1 =	sshll.u32 s5, $0x4;
	s28 =	smul.u32 $0x50000, s0;
	s5 =	ssub.s32 $0x2, s5  }
0x7: {  	s31 =	sshll.u32 s0, $0x6;
	s1 =	sor.u32 s0, s1;
	s29 =	sshrl.u32 s5, $0x1  }
0x8: {  	s7 =	smul.u32 $0x500, s1;
	s1 =	rddreg [dreg:$0x2];
	_ =	strace $0x8000004A  }
0x9: {  	s26 =	sshrl.u32 s8, $0x3;
	s8 =	sadd.s32 s8, s9;
	s30 =	sshrl.u32 s28, $0x2  }
0xa: {  	s12 =	ssub.s32 s5, s29;
	s8 =	sshrl.u32 s8, $0x3;
	s13 =	sadd.s32 s30, s2  }
0xb: {  	s10 =	sadd.s32 s7, s6;
	s7 =	sadd.s32 s26, s6;
	s11 =	sadd.s32 s8, s6  }
0xc: {  	s6 =	sor.u32 $0x1C01, s31;
	s5 =	sadd.s32 $0x18600, s7;
	s7 =	sadd.s32 $0x4600, s10  }
0xd: {  	s8 =	sadd.s32 $0xE600, s10;
	s9 =	sadd.s32 $0x67800, s11;
	s10 =	smax.u32 s12, $0x1  }
0xe: {  	s11 =	sshrl.u32 s13, $0x3;
	s12 =	simm.s32 $0x1;
	s13 =	simm.s32 $0x2800  }
.LBB2_1:
0xf: {  	[spmem:s11], [sflag:s6] =	dma.local [hbm:s5], $0x2800  }
0x10: {  	_ =	swait.ge [sflag:s12], $0x2800  }
0x11: {  	[sflag:s12] =	ssyncset.done $0x0  }
0x12: {  	[sflag:s12] =	ssyncadd.s32 $0xFFFFD800  }
0x13: {  	[tilespmem:s3], [sflag:$0x1] =	stream.linear.gather [hbm4b:s7+s3], $0x2800, $0x38;
	[tilespmem:$0x1D000] =	vst v63  }
0x14: {  	_ =	swait.ge [sflag:s12], $0x2800  }
0x15: {  	[sflag:s12] =	ssyncset.done $0x0  }
0x16: {  	[sflag:s12] =	ssyncadd.s32 $0xFFFFD800  }
0x17: {  	[tilespmem:s13], [sflag:$0x1] =	stream.linear.gather [hbm4b:s8+s3], $0x2800, $0x38;
	[tilespmem:$0x1D000] =	vst v63  }
0x18: {  	_ =	swait.ge [sflag:s12], $0x2800  }
0x19: {  	[sflag:s12] =	ssyncset.done $0x0  }
0x1a: {  	[sflag:s12] =	ssyncadd.s32 $0xFFFFD800  }
0x1b: {  	s17 =	simm.s32 $0x0;
	[bflag:$0x0] =	sbarrier.arrive $0xFFFF  }
0x1c: {  	[tilespmem:s15], [sflag:$0x1] =	stream.indirect.gather [hbm4b:s4+s14], $0x80, s17, s14, $0xb8;
	[tilespmem:$0x1D000] =	vst v63  }
0x1d: {  	_ =	swait.ge [sflag:s12], $0x3E80  }
0x1e: {  	[sflag:s12] =	ssyncset.done $0x0  }
0x1f: {  	s31 =	simm.s32 $0x2800;
	[sflag:s12] =	ssyncadd.s32 $0xFFFFC180  }
0x20: {  	[spmem:s2] =	stream.indirect.scatter.add.f32 [tilespmem:s15], [sflag:$0x1], $0x80, s31, s14, $0xb8;
	[tilespmem:$0x1D000] =	vst v63  }
0x21: {  	_ =	swait.ge [sflag:s12], $0x3E80  }
0x22: {  	s18 =	simm.s32 $0x400;
	s17 =	simm.s32 $0x200;
	[sflag:s12] =	ssyncset.done $0x0  }
.LBB2_2:
0x23: {  	s19 =	sshra.s32 s17, $0x2  }
0x24: {  	[sflag:s12] =	ssyncadd.s32 $0xFFFFC180;
	s17 =	smov.u32 s18;
	s20 =	sadd.s32 $0x200, s18  }
0x25: {  	[tilespmem:s15], [sflag:$0x1] =	stream.indirect.gather [hbm4b:s4+s14], $0x80, s19, s14, $0xb8;
	[tilespmem:$0x1D000] =	vst v63  }
0x26: {  	p0 =	sne.s32 s18, $0x9E00;
	_ =	swait.ge [sflag:s12], $0x3E80  }
.Ltmp0:
0x27: {  	[sflag:s12] =	ssyncset.done $0x0;
	(pc) =	sbr.rel @p0 .LBB2_2-.Ltmp0, $4  }
0x28: {  	s18 =	sadd.s32 $0x2800, s19;
	[sflag:s12] =	ssyncadd.s32 $0xFFFFC180  }
0x29: {  	[spmem:s2] =	stream.indirect.scatter.add.f32 [tilespmem:s15], [sflag:$0x1], $0x80, s18, s14, $0xb8;
	[tilespmem:$0x1D000] =	vst v63  }
0x2a: {  	_ =	swait.ge [sflag:s12], $0x3E80  }
0x2b: {  	s18 =	smov.u32 s20;
	[sflag:s12] =	ssyncset.done $0x0  }
0x2c: {  	s17 =	sshra.s32 s17, $0x2;
	[sflag:s12] =	ssyncadd.s32 $0xFFFFC180  }
0x2d: {  	[tilespmem:s15], [sflag:$0x1] =	stream.indirect.gather [hbm4b:s4+s14], $0x80, s17, s14, $0xb8;
	[tilespmem:$0x1D000] =	vst v63  }
0x2e: {  	_ =	swait.ge [sflag:s12], $0x3E80  }
0x2f: {  	[sflag:s12] =	ssyncset.done $0x0  }
0x30: {  	s17 =	sadd.s32 $0x2800, s17;
	[sflag:s12] =	ssyncadd.s32 $0xFFFFC180  }
0x31: {  	[spmem:s2] =	stream.indirect.scatter.add.f32 [tilespmem:s15], [sflag:$0x1], $0x80, s17, s14, $0xb8;
	[tilespmem:$0x1D000] =	vst v63  }
0x32: {  	_ =	swait.ge [sflag:s12], $0x3E80  }
0x33: {  	s16 =	sadd.s32 $0x1, s16;
	[sflag:s12] =	ssyncset.done $0x0  }
0x34: {  	p0 =	sne.s32 s16, s10;
	[sflag:s12] =	ssyncadd.s32 $0xFFFFC180  }
.Ltmp1:
0x35: {  	[bflag:$0x0] =	sbarrier.arrive $0xFFFF;
	(pc) =	sbr.rel @p0 .LBB2_1-.Ltmp1, $4  }
0x36: {  	[hbm:s9], [sflag:s6] =	dma.local [spmem:s11], $0x2800  }
0x37: {  	_ =	swait.ge [sflag:s12], $0x2800  }
0x38: {  	[sflag:s12] =	ssyncset.done $0x0  }
0x39: {  	[sflag:s12] =	ssyncadd.s32 $0xFFFFD800  }
0x3a: {  	_ =	sfence.sel $0x180000  }
0x3b: {  	[bflag:$0x0] =	sbarrier.arrive $0xFFFF  }
0x3c: {  	p0 =	sne.s32 s0, $0x0;
	_ =	strace $0x9000004A  }
0x3d: {  	s0 =	sadd.s32 @!p0 $0x100000, s1;
	[bflag:$0x2] =	sbarrier.arrive $0xFFFF  }
0x3e: {  	[sflag:s0] =	ssyncadd.tile.s32 @!p0 $0x1;
	_ =	shalt  }
.Lfunc_end2:
_tile_overlayer_lowered:
.L_overlay_start_2:
0x3f: {  	(tag) =	ssettag $0x2  }
0x40: {  	s0 =	rddreg [dreg:$0x0];
	s2 =	stileid.u32  }
0x41: {  	s1 =	rddreg [dreg:$0x1];
	p0 =	sne.s32 s2, $0x0  }
0x42: {  	s3 =	rddreg [dreg:$0x2];
	[bflag:$0x3] =	sbarrier.arrive $0xFFFF;
	s2 =	simm.s32 @!p0 $0x1C01  }
0x43: {  	[timem:s3], [sflag:s2] =	dma.local @!p0 [hbm:s0], s1  }
0x44: {  	s0 =	simm.s32 @!p0 $0x1  }
0x45: {  	_ =	swait.ge @!p0 [sflag:s0], s1  }
0x46: {  	s1 =	ssub.s32 @!p0 $0x0, s1;
	[sflag:s0] =	ssyncset.done @!p0 $0x0  }
0x47: {  	[sflag:s0] =	ssyncadd.s32 @!p0 s1  }
0x48: {  	[bflag:$0x3] =	sbarrier.arrive $0xFFFF  }
0x49: {  	_ =	shalt  }

// kernel: kernel.16.cloned.1.call-start
scs
__scs_entry_jumppad:
0x0: {  	(pc) =	sbr.rel $0x88, $3  }
0x1: {  	(tag) =	ssettag $0x0;
	lr =	simm.s32 $0x1  }
0x2: {  	[smem:$0x3F8D] =	sst lr;
	_ =	strace $0xD0000000  }
0x3: {  	_ = 	snop  }
0x4: {  	_ = 	snop  }
0x5: {  	_ = 	snop  }
0x6: {  	_ = 	snop  }
0x7: {  	_ = 	snop  }
__scs_overlays_trampoline_lowered:
0x8: {  	[smem:$0x3F9C] =	sst s0  }
0x9: {  	[smem:$0x3F9D] =	sst s1  }
0xa: {  	[smem:$0x3F9E] =	sst s2  }
0xb: {  	[smem:$0x3F9F] =	sst s3  }
0xc: {  	[smem:$0x3FA0] =	sst s4  }
0xd: {  	[smem:$0x3FA1] =	sst s5  }
0xe: {  	[smem:$0x3FA2] =	sst s6  }
0xf: {  	[smem:$0x3FA3] =	sst s7  }
0x10: {  	[smem:$0x3FA4] =	sst s8  }
0x11: {  	[smem:$0x3FA5] =	sst s9;
	s0 =	simm.s32 @!p0 $0x0  }
0x12: {  	s1 =	sld [smem:$0x3F8B];
	s0 =	simm.s32 @p0 $0x1  }
0x13: {  	[smem:$0x3FA6] =	sst s0;
	s0 =	simm.s32 @!p1 $0x0  }
0x14: {  	s2 =	sld [smem:$0x3F8A];
	s0 =	simm.s32 @p1 $0x1  }
0x15: {  	[smem:$0x3FA7] =	sst s0;
	s0 =	simm.s32 @!p2 $0x0  }
0x16: {  	s3 =	sld [smem:$0x3FDB];
	s0 =	simm.s32 @p2 $0x1  }
0x17: {  	s4 =	simm.s32 $0x1BF5;
	[smem:$0x3FA9] =	sst s0  }
0x18: {  	s0 =	sld [smem:$0x3F8C];
	_ =	swait.ge [sflag:s4], $0x0  }
0x19: {  	s7 =	sld [smem:$0x3F8D]  }
0x1a: {  	s8 =	sadd.s32 $0xFFFFE003, lr  }
0x1b: {  	s9 =	sadd.s32 $0xFFFFFEF7, lr;
	s5 =	simm.s32 $0xFFFFFFFF;
	p2 =	slt.u32 s8, $0xFFFFF086  }
0x1c: {  	p1 =	slt.u32 s9, $0xF7A;
	s5 =	simm.s32 @!p2 $0x0  }
0x1d: {  	s5 =	simm.s32 @p1 $0x1;
	p0 =	seq.s32 s7, s2  }
0x1e: {  	s7 =	smul.u32 @!p0 $0xF7A, s2;
	p2 =	seq.s32 @!p0 s5, $0x0  }
0x1f: {  	s9 =	smul.u32 $0xF7A, s1;
	s8 =	simm.s32 @!p0 $0x1BF5;
	p2 =	por !p2, p0  }
0x20: {  	[sflag:s8] =	ssyncset.s32 @!p0 $0xFFFFF086;
	s6 =	sadd.s32 @!p0 s3, s7;
	s7 =	simm.s32 @!p0 $0x108  }
0x21: {  	s3 =	sadd.s32 s3, s9;
	s6 =	sadd.s32 @!p0 $0x88, s6;
	s7 =	simm.s32 @p2 $0x1082  }
0x22: {  	[simem:s7], [sflag:s8] =	dma.local @!p0 [hbm:s6], $0xF7A  }
0x23: {  	s9 =	sor.u32 $0xD0000000, s2;
	s6 =	simm.s32 $0x108;
	_ =	swait.ge @!p0 [sflag:s8], $0x0  }
0x24: {  	s3 =	sadd.s32 $0x88, s3;
	s6 =	simm.s32 @!p1 $0x1082;
	[sflag:s4] =	ssyncset.s32 $0xFFFFF086  }
0x25: {  	[simem:s6], [sflag:s4] =	dma.local [hbm:s3], $0xF7A  }
0x26: {  	[smem:$0x3F8D] =	sst s1;
	(tag) =	ssettag s2;
	_ =	strace s9  }
0x27: {  	s1 =	sld [smem:$0x3F9D]  }
0x28: {  	s2 =	sld [smem:$0x3F9E]  }
0x29: {  	s4 =	sld [smem:$0x3FA0]  }
0x2a: {  	p0 =	seq.s32 s5, $0x0;
	s5 =	sld [smem:$0x3FA1]  }
0x2b: {  	s6 =	sld [smem:$0x3FA2]  }
0x2c: {  	s7 =	sld [smem:$0x3FA3]  }
0x2d: {  	s3 =	simm.s32 $0x108;
	s8 =	sld [smem:$0x3FA4]  }
0x2e: {  	s3 =	simm.s32 @!p0 $0x1082;
	s9 =	sld [smem:$0x3FA5]  }
0x2f: {  	lr =	sadd.s32 s0, s3;
	s0 =	sld [smem:$0x3F9C]  }
0x30: {  	s3 =	sld [smem:$0x3F9F]  }
0x31: {  	[smem:$0x3FA8] =	sst s10  }
0x32: {  	s10 =	sld [smem:$0x3FA6];
	_ =	sdelay $0x3  }
0x33: {  	p0 =	seq.s32 s10, $0x1;
	s10 =	sld [smem:$0x3FA8];
	_ =	sdelay $0x3  }
0x34: {  	[smem:$0x3FA8] =	sst s10  }
0x35: {  	s10 =	sld [smem:$0x3FA7];
	_ =	sdelay $0x3  }
0x36: {  	p1 =	seq.s32 s10, $0x1;
	s10 =	sld [smem:$0x3FA8];
	_ =	sdelay $0x3  }
0x37: {  	[smem:$0x3FA8] =	sst s10  }
0x38: {  	s10 =	sld [smem:$0x3FA9]  }
0x39: {  	_ = 	snop;
	(pc) =	sbr.ind lr, $3  }
0x3a: {  	_ = 	snop  }
0x3b: {  	_ = 	snop  }
0x3c: {  	p2 =	seq.s32 s10, $0x1;
	s10 =	sld [smem:$0x3FA8]  }
0x3d: {  	_ =	shalt  }
0x3e: {  	_ =	shalt  }
0x3f: {  	_ =	shalt  }
0x40: {  	_ =	shalt  }
0x41: {  	_ =	shalt  }
0x42: {  	_ =	shalt  }
0x43: {  	_ =	shalt  }
0x44: {  	_ =	shalt  }
0x45: {  	_ =	shalt  }
0x46: {  	_ =	shalt  }
0x47: {  	_ =	shalt  }
0x48: {  	_ =	shalt  }
0x49: {  	_ =	shalt  }
0x4a: {  	_ =	shalt  }
0x4b: {  	_ =	shalt  }
0x4c: {  	_ =	shalt  }
0x4d: {  	_ =	shalt  }
0x4e: {  	_ =	shalt  }
0x4f: {  	_ =	shalt  }
0x50: {  	_ =	shalt  }
0x51: {  	_ =	shalt  }
0x52: {  	_ =	shalt  }
0x53: {  	_ =	shalt  }
0x54: {  	_ =	shalt  }
0x55: {  	_ =	shalt  }
0x56: {  	_ =	shalt  }
0x57: {  	_ =	shalt  }
0x58: {  	_ =	shalt  }
0x59: {  	_ =	shalt  }
0x5a: {  	_ =	shalt  }
0x5b: {  	_ =	shalt  }
0x5c: {  	_ =	shalt  }
0x5d: {  	_ =	shalt  }
0x5e: {  	_ =	shalt  }
0x5f: {  	_ =	shalt  }
0x60: {  	_ =	shalt  }
0x61: {  	_ =	shalt  }
0x62: {  	_ =	shalt  }
0x63: {  	_ =	shalt  }
0x64: {  	_ =	shalt  }
0x65: {  	_ =	shalt  }
0x66: {  	_ =	shalt  }
0x67: {  	_ =	shalt  }
0x68: {  	_ =	shalt  }
0x69: {  	_ =	shalt  }
0x6a: {  	_ =	shalt  }
0x6b: {  	_ =	shalt  }
0x6c: {  	_ =	shalt  }
0x6d: {  	_ =	shalt  }
0x6e: {  	_ =	shalt  }
0x6f: {  	_ =	shalt  }
0x70: {  	_ =	shalt  }
0x71: {  	_ =	shalt  }
0x72: {  	_ =	shalt  }
0x73: {  	_ =	shalt  }
0x74: {  	_ =	shalt  }
0x75: {  	_ =	shalt  }
0x76: {  	_ =	shalt  }
0x77: {  	_ =	shalt  }
0x78: {  	_ =	shalt  }
0x79: {  	_ =	shalt  }
0x7a: {  	_ =	shalt  }
0x7b: {  	_ =	shalt  }
0x7c: {  	_ =	shalt  }
0x7d: {  	_ =	shalt  }
0x7e: {  	_ =	shalt  }
0x7f: {  	_ =	shalt  }
0x80: {  	_ =	shalt  }
0x81: {  	_ =	shalt  }
0x82: {  	_ =	shalt  }
0x83: {  	_ =	shalt  }
0x84: {  	_ =	shalt  }
0x85: {  	_ =	shalt  }
0x86: {  	_ =	shalt  }
0x87: {  	_ =	shalt  }
.Lfunc_end0:
.L_simem_size_0:
called_computation.2_lowered:
.L_overlay_start_0:
0x88: {  	s2 =	sld [smem:$0x3FD9]  }
0x89: {  	s3 =	sld [smem:$0x3FFE];
	_ =	sdelay $0x1  }
0x8a: {  	s1 =	srdreg.scid  }
0x8b: {  	s0 =	sand.u32 $0x1, s1  }
0x8c: {  	s16 =	sshll.u32 s0, $0xA;
	s2 =	sadd.s32 s3, s2  }
0x8d: {  	s2 =	sadd.s32 s2, s16  }
0x8e: {  	[smem:$0x3FB4] =	sst s2  }
0x8f: {  	_ = 	snop  }
0x90: {  	(tm) =	ssettm $0x1  }
0x91: {  	s17 =	sld [smem:$0x3FFB];
	_ =	sdelay $0x3  }
0x92: {  	_ =	strace s17  }
0x93: {  	s2 =	sld [smem:$0x3FFC];
	_ =	sdelay $0x3  }
0x94: {  	_ =	strace s2  }
0x95: {  	s2 =	sld [smem:$0x3FFD];
	_ =	sdelay $0x3  }
0x96: {  	_ =	strace s2  }
0x97: {  	_ =	strace $0x8FFFFFFF  }
0x98: {  	s18 =	sld [smem:$0x3FDB];
	_ =	sdelay $0x1  }
0x99: {  	s19 =	simm.s32 $_scs_section_size  }
0x9a: {  	s4 =	simm.s32 $_size__tile_overlayer_lowered;
	s5 =	simm.s32 $_tile_overlayer_lowered  }
0x9b: {  	s22 =	simm.s32 $0x1BFF;
	s21 =	sshll.u32 s5, $0x1;
	s2 =	sadd.s32 s19, s18  }
0x9c: {  	s6 =	simm.s32 $0x0;
	s20 =	sshll.u32 s4, $0x1;
	s4 =	sadd.s32 s21, s2  }
0x9d: {  	[timem:s6], [sflag:s22] =	dma.local [hbm:s4], s20  }
0x9e: {  	_ =	swait.ge [sflag:s22], s20  }
0x9f: {  	s3 =	ssub.s32 $0x0, s20;
	[sflag:s22] =	ssyncset.done $0x0  }
0xa0: {  	[sflag:s22] =	ssyncadd.s32 s3;
	_ =	sdelay $0x1  }
0xa1: {  	s23 =	simm.s32 $0x1B8B  }
0xa2: {  	_ =	swait.ge [sflag:s23], $0x1  }
0xa3: {  	[sflag:s23] =	ssyncset.done $0x0  }
0xa4: {  	s25 =	simm.s32 $0x1B8E;
	s24 =	sld [smem:$0x3FFE];
	[sflag:s23] =	ssyncadd.s32 $0xFFFFFFFF  }
0xa5: {  	s26 =	simm.s32 $execute0_lowered;
	[smem:$0x3FD2] =	sst s25  }
0xa6: {  	s4 =	sshll.u32 s26, $0x1;
	_ =	strace $0x8000004C;
	[dreg:$0x1] =	wrdreg $0xFFFFFFFF  }
0xa7: {  	s28 =	simm.s32 $_size_execute0_lowered;
	s2 =	sadd.s32 s2, s4;
	[dreg:$0x0] =	wrdreg $0x0  }
0xa8: {  	s4 =	sshll.u32 s28, $0x1;
	[dreg:$0x2] =	wrdreg s2  }
0xa9: {  	[dreg:$0x3] =	wrdreg s4  }
0xaa: {  	[dreg:$0x4] =	wrdreg $0xC0  }
0xab: {  	_ =	task [dreg:s6], $0x5FFFF  }
0xac: {  	[dreg:$0x1] =	wrdreg $0xFFFFFFFF  }
0xad: {  	[dreg:$0x0] =	wrdreg $0x60  }
0xae: {  	[dreg:$0x2] =	wrdreg s24  }
0xaf: {  	[dreg:$0x3] =	wrdreg $0x90000  }
0xb0: {  	[dreg:$0x4] =	wrdreg $0x9  }
0xb1: {  	_ =	task.clear_ibuf [dreg:s6], $0x5FFFF;
	_ =	strace $0x9000004C  }
0xb2: {  	s29 =	simm.s32 $0x9;
	_ =	strace $0x8000004E  }
0xb3: {  	_ =	swait.ge [sflag:s29], $0x1  }
0xb4: {  	[sflag:s29] =	ssyncadd.s32 $0xFFFFFFFF  }
0xb5: {  	_ =	strace $0x9000004E  }
0xb6: {  	_ =	sfence  }
0xb7: {  	s30 =	sld [smem:$0x0];
	_ =	sdelay $0x2  }
0xb8: {  	s31 =	sshll.u32 s1, $0xD;
	s1 =	sshrl.u32 s1, $0x2  }
0xb9: {  	s3 =	sand.u32 $0x4000, s31;
	s1 =	sadd.s32 s1, s30  }
0xba: {  	s0 =	sor.u32 s3, s0;
	s1 =	sshll.u32 s1, $0x11  }
0xbb: {  	s0 =	sor.u32 s1, s0  }
0xbc: {  	s0 =	sadd.s32 $0x8F2B, s0  }
0xbd: {  	[sflag:s0] =	ssyncadd.remote.s32 $0x1  }
0xbe: {  	_ =	sfence.sel $0xFFFF  }
0xbf: {  	[dreg:$0x0] =	wrdreg $0xFFFFFFFF;
	(pc) =	sbr.abs _section_cstart, $3  }
0xc0: {  	[dreg:$0x1] =	wrdreg $0xFFFFFFFF  }
0xc1: {  	_ =	task.clear_ibuf [dreg:s6], $0x2FFFF;
	_ =	strace $0x9FFFFFFF  }
0xc2: {  	(tm) =	ssettm $0x7FFFFFFF  }
0xc3: {  	_ =	shalt  }
tec
execute0_lowered:
.L_overlay_start_1:
0x0: {  	(tag) =	ssettag $0x1  }
0x1: {  	s6 =	rddreg [dreg:$0x0]  }
0x2: {  	s0 =	srdreg.scid;
	s2 =	rddreg [dreg:$0x1];
	s3 =	simm.s32 $0x0  }
0x3: {  	s14 =	simm.s32 $0x7D;
	s5 =	sand.u32 $0x1, s0;
	s0 =	stileid.u32  }
0x4: {  	s15 =	simm.s32 $0x5000;
	s16 =	simm.s32 $0x0;
	s8 =	smul.u32 $0x14000, s0  }
0x5: {  	[smem:$0x7FF] =	sst s3;
	s4 =	sadd.s32 $0x40600, s6;
	s9 =	smul.u32 $0x140000, s5  }
0x6: {  	s1 =	sshll.u32 s5, $0x4;
	s28 =	smul.u32 $0x50000, s0;
	s5 =	ssub.s32 $0x2, s5  }
0x7: {  	s31 =	sshll.u32 s0, $0x6;
	s1 =	sor.u32 s0, s1;
	s29 =	sshrl.u32 s5, $0x1  }
0x8: {  	s7 =	smul.u32 $0x500, s1;
	s1 =	rddreg [dreg:$0x2];
	_ =	strace $0x8000004D  }
0x9: {  	s26 =	sshrl.u32 s8, $0x3;
	s8 =	sadd.s32 s8, s9;
	s30 =	sshrl.u32 s28, $0x2  }
0xa: {  	s12 =	ssub.s32 s5, s29;
	s8 =	sshrl.u32 s8, $0x3;
	s13 =	sadd.s32 s30, s2  }
0xb: {  	s10 =	sadd.s32 s7, s6;
	s7 =	sadd.s32 s26, s6;
	s11 =	sadd.s32 s8, s6  }
0xc: {  	s6 =	sor.u32 $0x1C01, s31;
	s5 =	sadd.s32 $0x18600, s7;
	s7 =	sadd.s32 $0x4600, s10  }
0xd: {  	s8 =	sadd.s32 $0xE600, s10;
	s9 =	sadd.s32 $0x67800, s11;
	s10 =	smax.u32 s12, $0x1  }
0xe: {  	s11 =	sshrl.u32 s13, $0x3;
	s12 =	simm.s32 $0x1;
	s13 =	simm.s32 $0x2800  }
.LBB2_1:
0xf: {  	[spmem:s11], [sflag:s6] =	dma.local [hbm:s5], $0x2800  }
0x10: {  	_ =	swait.ge [sflag:s12], $0x2800  }
0x11: {  	[sflag:s12] =	ssyncset.done $0x0  }
0x12: {  	[sflag:s12] =	ssyncadd.s32 $0xFFFFD800  }
0x13: {  	[tilespmem:s3], [sflag:$0x1] =	stream.linear.gather [hbm4b:s7+s3], $0x2800, $0x38;
	[tilespmem:$0x1D000] =	vst v63  }
0x14: {  	_ =	swait.ge [sflag:s12], $0x2800  }
0x15: {  	[sflag:s12] =	ssyncset.done $0x0  }
0x16: {  	[sflag:s12] =	ssyncadd.s32 $0xFFFFD800  }
0x17: {  	[tilespmem:s13], [sflag:$0x1] =	stream.linear.gather [hbm4b:s8+s3], $0x2800, $0x38;
	[tilespmem:$0x1D000] =	vst v63  }
0x18: {  	_ =	swait.ge [sflag:s12], $0x2800  }
0x19: {  	[sflag:s12] =	ssyncset.done $0x0  }
0x1a: {  	[sflag:s12] =	ssyncadd.s32 $0xFFFFD800  }
0x1b: {  	s17 =	simm.s32 $0x0;
	[bflag:$0x0] =	sbarrier.arrive $0xFFFF  }
0x1c: {  	[tilespmem:s15], [sflag:$0x1] =	stream.indirect.gather [hbm4b:s4+s14], $0x80, s17, s14, $0xb8;
	[tilespmem:$0x1D000] =	vst v63  }
0x1d: {  	_ =	swait.ge [sflag:s12], $0x3E80  }
0x1e: {  	[sflag:s12] =	ssyncset.done $0x0  }
0x1f: {  	s31 =	simm.s32 $0x2800;
	[sflag:s12] =	ssyncadd.s32 $0xFFFFC180  }
0x20: {  	[spmem:s2] =	stream.indirect.scatter.add.f32 [tilespmem:s15], [sflag:$0x1], $0x80, s31, s14, $0xb8;
	[tilespmem:$0x1D000] =	vst v63  }
0x21: {  	_ =	swait.ge [sflag:s12], $0x3E80  }
0x22: {  	s18 =	simm.s32 $0x400;
	s17 =	simm.s32 $0x200;
	[sflag:s12] =	ssyncset.done $0x0  }
.LBB2_2:
0x23: {  	s19 =	sshra.s32 s17, $0x2  }
0x24: {  	[sflag:s12] =	ssyncadd.s32 $0xFFFFC180;
	s17 =	smov.u32 s18;
	s20 =	sadd.s32 $0x200, s18  }
0x25: {  	[tilespmem:s15], [sflag:$0x1] =	stream.indirect.gather [hbm4b:s4+s14], $0x80, s19, s14, $0xb8;
	[tilespmem:$0x1D000] =	vst v63  }
0x26: {  	p0 =	sne.s32 s18, $0x9E00;
	_ =	swait.ge [sflag:s12], $0x3E80  }
.Ltmp0:
0x27: {  	[sflag:s12] =	ssyncset.done $0x0;
	(pc) =	sbr.rel @p0 .LBB2_2-.Ltmp0, $4  }
0x28: {  	s18 =	sadd.s32 $0x2800, s19;
	[sflag:s12] =	ssyncadd.s32 $0xFFFFC180  }
0x29: {  	[spmem:s2] =	stream.indirect.scatter.add.f32 [tilespmem:s15], [sflag:$0x1], $0x80, s18, s14, $0xb8;
	[tilespmem:$0x1D000] =	vst v63  }
0x2a: {  	_ =	swait.ge [sflag:s12], $0x3E80  }
0x2b: {  	s18 =	smov.u32 s20;
	[sflag:s12] =	ssyncset.done $0x0  }
0x2c: {  	s17 =	sshra.s32 s17, $0x2;
	[sflag:s12] =	ssyncadd.s32 $0xFFFFC180  }
0x2d: {  	[tilespmem:s15], [sflag:$0x1] =	stream.indirect.gather [hbm4b:s4+s14], $0x80, s17, s14, $0xb8;
	[tilespmem:$0x1D000] =	vst v63  }
0x2e: {  	_ =	swait.ge [sflag:s12], $0x3E80  }
0x2f: {  	[sflag:s12] =	ssyncset.done $0x0  }
0x30: {  	s17 =	sadd.s32 $0x2800, s17;
	[sflag:s12] =	ssyncadd.s32 $0xFFFFC180  }
0x31: {  	[spmem:s2] =	stream.indirect.scatter.add.f32 [tilespmem:s15], [sflag:$0x1], $0x80, s17, s14, $0xb8;
	[tilespmem:$0x1D000] =	vst v63  }
0x32: {  	_ =	swait.ge [sflag:s12], $0x3E80  }
0x33: {  	s16 =	sadd.s32 $0x1, s16;
	[sflag:s12] =	ssyncset.done $0x0  }
0x34: {  	p0 =	sne.s32 s16, s10;
	[sflag:s12] =	ssyncadd.s32 $0xFFFFC180  }
.Ltmp1:
0x35: {  	[bflag:$0x0] =	sbarrier.arrive $0xFFFF;
	(pc) =	sbr.rel @p0 .LBB2_1-.Ltmp1, $4  }
0x36: {  	[hbm:s9], [sflag:s6] =	dma.local [spmem:s11], $0x2800  }
0x37: {  	_ =	swait.ge [sflag:s12], $0x2800  }
0x38: {  	[sflag:s12] =	ssyncset.done $0x0  }
0x39: {  	[sflag:s12] =	ssyncadd.s32 $0xFFFFD800  }
0x3a: {  	_ =	sfence.sel $0x180000  }
0x3b: {  	[bflag:$0x0] =	sbarrier.arrive $0xFFFF  }
0x3c: {  	p0 =	sne.s32 s0, $0x0;
	_ =	strace $0x9000004D  }
0x3d: {  	s0 =	sadd.s32 @!p0 $0x100000, s1;
	[bflag:$0x2] =	sbarrier.arrive $0xFFFF  }
0x3e: {  	[sflag:s0] =	ssyncadd.tile.s32 @!p0 $0x1;
	_ =	shalt  }
.Lfunc_end2:
_tile_overlayer_lowered:
.L_overlay_start_2:
0x3f: {  	(tag) =	ssettag $0x2  }
0x40: {  	s0 =	rddreg [dreg:$0x0];
	s2 =	stileid.u32  }
0x41: {  	s1 =	rddreg [dreg:$0x1];
	p0 =	sne.s32 s2, $0x0  }
0x42: {  	s3 =	rddreg [dreg:$0x2];
	[bflag:$0x3] =	sbarrier.arrive $0xFFFF;
	s2 =	simm.s32 @!p0 $0x1C01  }
0x43: {  	[timem:s3], [sflag:s2] =	dma.local @!p0 [hbm:s0], s1  }
0x44: {  	s0 =	simm.s32 @!p0 $0x1  }
0x45: {  	_ =	swait.ge @!p0 [sflag:s0], s1  }
0x46: {  	s1 =	ssub.s32 @!p0 $0x0, s1;
	[sflag:s0] =	ssyncset.done @!p0 $0x0  }
0x47: {  	[sflag:s0] =	ssyncadd.s32 @!p0 s1  }
0x48: {  	[bflag:$0x3] =	sbarrier.arrive $0xFFFF  }
0x49: {  	_ =	shalt  }

// kernel: kernel.19.cloned.1.call-start
scs
__scs_entry_jumppad:
0x0: {  	(pc) =	sbr.rel $0x88, $3  }
0x1: {  	(tag) =	ssettag $0x0;
	lr =	simm.s32 $0x1  }
0x2: {  	[smem:$0x3F8D] =	sst lr;
	_ =	strace $0xD0000000  }
0x3: {  	_ = 	snop  }
0x4: {  	_ = 	snop  }
0x5: {  	_ = 	snop  }
0x6: {  	_ = 	snop  }
0x7: {  	_ = 	snop  }
__scs_overlays_trampoline_lowered:
0x8: {  	[smem:$0x3F9C] =	sst s0  }
0x9: {  	[smem:$0x3F9D] =	sst s1  }
0xa: {  	[smem:$0x3F9E] =	sst s2  }
0xb: {  	[smem:$0x3F9F] =	sst s3  }
0xc: {  	[smem:$0x3FA0] =	sst s4  }
0xd: {  	[smem:$0x3FA1] =	sst s5  }
0xe: {  	[smem:$0x3FA2] =	sst s6  }
0xf: {  	[smem:$0x3FA3] =	sst s7  }
0x10: {  	[smem:$0x3FA4] =	sst s8  }
0x11: {  	[smem:$0x3FA5] =	sst s9;
	s0 =	simm.s32 @!p0 $0x0  }
0x12: {  	s1 =	sld [smem:$0x3F8B];
	s0 =	simm.s32 @p0 $0x1  }
0x13: {  	[smem:$0x3FA6] =	sst s0;
	s0 =	simm.s32 @!p1 $0x0  }
0x14: {  	s2 =	sld [smem:$0x3F8A];
	s0 =	simm.s32 @p1 $0x1  }
0x15: {  	[smem:$0x3FA7] =	sst s0;
	s0 =	simm.s32 @!p2 $0x0  }
0x16: {  	s3 =	sld [smem:$0x3FDB];
	s0 =	simm.s32 @p2 $0x1  }
0x17: {  	s4 =	simm.s32 $0x1BF5;
	[smem:$0x3FA9] =	sst s0  }
0x18: {  	s0 =	sld [smem:$0x3F8C];
	_ =	swait.ge [sflag:s4], $0x0  }
0x19: {  	s7 =	sld [smem:$0x3F8D]  }
0x1a: {  	s8 =	sadd.s32 $0xFFFFE003, lr  }
0x1b: {  	s9 =	sadd.s32 $0xFFFFFEF7, lr;
	s5 =	simm.s32 $0xFFFFFFFF;
	p2 =	slt.u32 s8, $0xFFFFF086  }
0x1c: {  	p1 =	slt.u32 s9, $0xF7A;
	s5 =	simm.s32 @!p2 $0x0  }
0x1d: {  	s5 =	simm.s32 @p1 $0x1;
	p0 =	seq.s32 s7, s2  }
0x1e: {  	s7 =	smul.u32 @!p0 $0xF7A, s2;
	p2 =	seq.s32 @!p0 s5, $0x0  }
0x1f: {  	s9 =	smul.u32 $0xF7A, s1;
	s8 =	simm.s32 @!p0 $0x1BF5;
	p2 =	por !p2, p0  }
0x20: {  	[sflag:s8] =	ssyncset.s32 @!p0 $0xFFFFF086;
	s6 =	sadd.s32 @!p0 s3, s7;
	s7 =	simm.s32 @!p0 $0x108  }
0x21: {  	s3 =	sadd.s32 s3, s9;
	s6 =	sadd.s32 @!p0 $0x88, s6;
	s7 =	simm.s32 @p2 $0x1082  }
0x22: {  	[simem:s7], [sflag:s8] =	dma.local @!p0 [hbm:s6], $0xF7A  }
0x23: {  	s9 =	sor.u32 $0xD0000000, s2;
	s6 =	simm.s32 $0x108;
	_ =	swait.ge @!p0 [sflag:s8], $0x0  }
0x24: {  	s3 =	sadd.s32 $0x88, s3;
	s6 =	simm.s32 @!p1 $0x1082;
	[sflag:s4] =	ssyncset.s32 $0xFFFFF086  }
0x25: {  	[simem:s6], [sflag:s4] =	dma.local [hbm:s3], $0xF7A  }
0x26: {  	[smem:$0x3F8D] =	sst s1;
	(tag) =	ssettag s2;
	_ =	strace s9  }
0x27: {  	s1 =	sld [smem:$0x3F9D]  }
0x28: {  	s2 =	sld [smem:$0x3F9E]  }
0x29: {  	s4 =	sld [smem:$0x3FA0]  }
0x2a: {  	p0 =	seq.s32 s5, $0x0;
	s5 =	sld [smem:$0x3FA1]  }
0x2b: {  	s6 =	sld [smem:$0x3FA2]  }
0x2c: {  	s7 =	sld [smem:$0x3FA3]  }
0x2d: {  	s3 =	simm.s32 $0x108;
	s8 =	sld [smem:$0x3FA4]  }
0x2e: {  	s3 =	simm.s32 @!p0 $0x1082;
	s9 =	sld [smem:$0x3FA5]  }
0x2f: {  	lr =	sadd.s32 s0, s3;
	s0 =	sld [smem:$0x3F9C]  }
0x30: {  	s3 =	sld [smem:$0x3F9F]  }
0x31: {  	[smem:$0x3FA8] =	sst s10  }
0x32: {  	s10 =	sld [smem:$0x3FA6];
	_ =	sdelay $0x3  }
0x33: {  	p0 =	seq.s32 s10, $0x1;
	s10 =	sld [smem:$0x3FA8];
	_ =	sdelay $0x3  }
0x34: {  	[smem:$0x3FA8] =	sst s10  }
0x35: {  	s10 =	sld [smem:$0x3FA7];
	_ =	sdelay $0x3  }
0x36: {  	p1 =	seq.s32 s10, $0x1;
	s10 =	sld [smem:$0x3FA8];
	_ =	sdelay $0x3  }
0x37: {  	[smem:$0x3FA8] =	sst s10  }
0x38: {  	s10 =	sld [smem:$0x3FA9]  }
0x39: {  	_ = 	snop;
	(pc) =	sbr.ind lr, $3  }
0x3a: {  	_ = 	snop  }
0x3b: {  	_ = 	snop  }
0x3c: {  	p2 =	seq.s32 s10, $0x1;
	s10 =	sld [smem:$0x3FA8]  }
0x3d: {  	_ =	shalt  }
0x3e: {  	_ =	shalt  }
0x3f: {  	_ =	shalt  }
0x40: {  	_ =	shalt  }
0x41: {  	_ =	shalt  }
0x42: {  	_ =	shalt  }
0x43: {  	_ =	shalt  }
0x44: {  	_ =	shalt  }
0x45: {  	_ =	shalt  }
0x46: {  	_ =	shalt  }
0x47: {  	_ =	shalt  }
0x48: {  	_ =	shalt  }
0x49: {  	_ =	shalt  }
0x4a: {  	_ =	shalt  }
0x4b: {  	_ =	shalt  }
0x4c: {  	_ =	shalt  }
0x4d: {  	_ =	shalt  }
0x4e: {  	_ =	shalt  }
0x4f: {  	_ =	shalt  }
0x50: {  	_ =	shalt  }
0x51: {  	_ =	shalt  }
0x52: {  	_ =	shalt  }
0x53: {  	_ =	shalt  }
0x54: {  	_ =	shalt  }
0x55: {  	_ =	shalt  }
0x56: {  	_ =	shalt  }
0x57: {  	_ =	shalt  }
0x58: {  	_ =	shalt  }
0x59: {  	_ =	shalt  }
0x5a: {  	_ =	shalt  }
0x5b: {  	_ =	shalt  }
0x5c: {  	_ =	shalt  }
0x5d: {  	_ =	shalt  }
0x5e: {  	_ =	shalt  }
0x5f: {  	_ =	shalt  }
0x60: {  	_ =	shalt  }
0x61: {  	_ =	shalt  }
0x62: {  	_ =	shalt  }
0x63: {  	_ =	shalt  }
0x64: {  	_ =	shalt  }
0x65: {  	_ =	shalt  }
0x66: {  	_ =	shalt  }
0x67: {  	_ =	shalt  }
0x68: {  	_ =	shalt  }
0x69: {  	_ =	shalt  }
0x6a: {  	_ =	shalt  }
0x6b: {  	_ =	shalt  }
0x6c: {  	_ =	shalt  }
0x6d: {  	_ =	shalt  }
0x6e: {  	_ =	shalt  }
0x6f: {  	_ =	shalt  }
0x70: {  	_ =	shalt  }
0x71: {  	_ =	shalt  }
0x72: {  	_ =	shalt  }
0x73: {  	_ =	shalt  }
0x74: {  	_ =	shalt  }
0x75: {  	_ =	shalt  }
0x76: {  	_ =	shalt  }
0x77: {  	_ =	shalt  }
0x78: {  	_ =	shalt  }
0x79: {  	_ =	shalt  }
0x7a: {  	_ =	shalt  }
0x7b: {  	_ =	shalt  }
0x7c: {  	_ =	shalt  }
0x7d: {  	_ =	shalt  }
0x7e: {  	_ =	shalt  }
0x7f: {  	_ =	shalt  }
0x80: {  	_ =	shalt  }
0x81: {  	_ =	shalt  }
0x82: {  	_ =	shalt  }
0x83: {  	_ =	shalt  }
0x84: {  	_ =	shalt  }
0x85: {  	_ =	shalt  }
0x86: {  	_ =	shalt  }
0x87: {  	_ =	shalt  }
.Lfunc_end0:
.L_simem_size_0:
called_computation.3_lowered:
.L_overlay_start_0:
0x88: {  	s2 =	sld [smem:$0x3FD9]  }
0x89: {  	s3 =	sld [smem:$0x3FFE];
	_ =	sdelay $0x1  }
0x8a: {  	s1 =	srdreg.scid  }
0x8b: {  	s0 =	sand.u32 $0x1, s1  }
0x8c: {  	s16 =	sshll.u32 s0, $0xA;
	s2 =	sadd.s32 s3, s2  }
0x8d: {  	s2 =	sadd.s32 s2, s16  }
0x8e: {  	[smem:$0x3FB4] =	sst s2  }
0x8f: {  	_ = 	snop  }
0x90: {  	(tm) =	ssettm $0x1  }
0x91: {  	s17 =	sld [smem:$0x3FFB];
	_ =	sdelay $0x3  }
0x92: {  	_ =	strace s17  }
0x93: {  	s2 =	sld [smem:$0x3FFC];
	_ =	sdelay $0x3  }
0x94: {  	_ =	strace s2  }
0x95: {  	s2 =	sld [smem:$0x3FFD];
	_ =	sdelay $0x3  }
0x96: {  	_ =	strace s2  }
0x97: {  	_ =	strace $0x8FFFFFFF  }
0x98: {  	s18 =	sld [smem:$0x3FDB];
	_ =	sdelay $0x1  }
0x99: {  	s19 =	simm.s32 $_scs_section_size  }
0x9a: {  	s4 =	simm.s32 $_size__tile_overlayer_lowered;
	s5 =	simm.s32 $_tile_overlayer_lowered  }
0x9b: {  	s22 =	simm.s32 $0x1BFF;
	s21 =	sshll.u32 s5, $0x1;
	s2 =	sadd.s32 s19, s18  }
0x9c: {  	s6 =	simm.s32 $0x0;
	s20 =	sshll.u32 s4, $0x1;
	s4 =	sadd.s32 s21, s2  }
0x9d: {  	[timem:s6], [sflag:s22] =	dma.local [hbm:s4], s20  }
0x9e: {  	_ =	swait.ge [sflag:s22], s20  }
0x9f: {  	s3 =	ssub.s32 $0x0, s20;
	[sflag:s22] =	ssyncset.done $0x0  }
0xa0: {  	[sflag:s22] =	ssyncadd.s32 s3;
	_ =	sdelay $0x1  }
0xa1: {  	s23 =	simm.s32 $0x1B8B  }
0xa2: {  	_ =	swait.ge [sflag:s23], $0x1  }
0xa3: {  	[sflag:s23] =	ssyncset.done $0x0  }
0xa4: {  	s25 =	simm.s32 $0x1B8E;
	s24 =	sld [smem:$0x3FFE];
	[sflag:s23] =	ssyncadd.s32 $0xFFFFFFFF  }
0xa5: {  	s26 =	simm.s32 $execute0_lowered;
	[smem:$0x3FD2] =	sst s25  }
0xa6: {  	s4 =	sshll.u32 s26, $0x1;
	_ =	strace $0x8000004F;
	[dreg:$0x1] =	wrdreg $0xFFFFFFFF  }
0xa7: {  	s28 =	simm.s32 $_size_execute0_lowered;
	s2 =	sadd.s32 s2, s4;
	[dreg:$0x0] =	wrdreg $0x0  }
0xa8: {  	s4 =	sshll.u32 s28, $0x1;
	[dreg:$0x2] =	wrdreg s2  }
0xa9: {  	[dreg:$0x3] =	wrdreg s4  }
0xaa: {  	[dreg:$0x4] =	wrdreg $0xC0  }
0xab: {  	_ =	task [dreg:s6], $0x5FFFF  }
0xac: {  	[dreg:$0x1] =	wrdreg $0xFFFFFFFF  }
0xad: {  	[dreg:$0x0] =	wrdreg $0x60  }
0xae: {  	[dreg:$0x2] =	wrdreg s24  }
0xaf: {  	[dreg:$0x3] =	wrdreg $0x90000  }
0xb0: {  	[dreg:$0x4] =	wrdreg $0x9  }
0xb1: {  	_ =	task.clear_ibuf [dreg:s6], $0x5FFFF;
	_ =	strace $0x9000004F  }
0xb2: {  	s29 =	simm.s32 $0x9;
	_ =	strace $0x80000051  }
0xb3: {  	_ =	swait.ge [sflag:s29], $0x1  }
0xb4: {  	[sflag:s29] =	ssyncadd.s32 $0xFFFFFFFF  }
0xb5: {  	_ =	strace $0x90000051  }
0xb6: {  	_ =	sfence  }
0xb7: {  	s30 =	sld [smem:$0x0];
	_ =	sdelay $0x2  }
0xb8: {  	s31 =	sshll.u32 s1, $0xD;
	s1 =	sshrl.u32 s1, $0x2  }
0xb9: {  	s3 =	sand.u32 $0x4000, s31;
	s1 =	sadd.s32 s1, s30  }
0xba: {  	s0 =	sor.u32 s3, s0;
	s1 =	sshll.u32 s1, $0x11  }
0xbb: {  	s0 =	sor.u32 s1, s0  }
0xbc: {  	s0 =	sadd.s32 $0x8F2B, s0  }
0xbd: {  	[sflag:s0] =	ssyncadd.remote.s32 $0x1  }
0xbe: {  	_ =	sfence.sel $0xFFFF  }
0xbf: {  	[dreg:$0x0] =	wrdreg $0xFFFFFFFF;
	(pc) =	sbr.abs _section_cstart, $3  }
0xc0: {  	[dreg:$0x1] =	wrdreg $0xFFFFFFFF  }
0xc1: {  	_ =	task.clear_ibuf [dreg:s6], $0x2FFFF;
	_ =	strace $0x9FFFFFFF  }
0xc2: {  	(tm) =	ssettm $0x7FFFFFFF  }
0xc3: {  	_ =	shalt  }
tec
execute0_lowered:
.L_overlay_start_1:
0x0: {  	(tag) =	ssettag $0x1  }
0x1: {  	s6 =	rddreg [dreg:$0x0]  }
0x2: {  	s0 =	srdreg.scid;
	s2 =	rddreg [dreg:$0x1];
	s3 =	simm.s32 $0x0  }
0x3: {  	s14 =	simm.s32 $0x7D;
	s5 =	sand.u32 $0x1, s0;
	s0 =	stileid.u32  }
0x4: {  	s15 =	simm.s32 $0x5000;
	s16 =	simm.s32 $0x0;
	s8 =	smul.u32 $0x14000, s0  }
0x5: {  	[smem:$0x7FF] =	sst s3;
	s4 =	sadd.s32 $0x40600, s6;
	s9 =	smul.u32 $0x140000, s5  }
0x6: {  	s1 =	sshll.u32 s5, $0x4;
	s28 =	smul.u32 $0x50000, s0;
	s5 =	ssub.s32 $0x2, s5  }
0x7: {  	s31 =	sshll.u32 s0, $0x6;
	s1 =	sor.u32 s0, s1;
	s29 =	sshrl.u32 s5, $0x1  }
0x8: {  	s7 =	smul.u32 $0x500, s1;
	s1 =	rddreg [dreg:$0x2];
	_ =	strace $0x80000050  }
0x9: {  	s26 =	sshrl.u32 s8, $0x3;
	s8 =	sadd.s32 s8, s9;
	s30 =	sshrl.u32 s28, $0x2  }
0xa: {  	s12 =	ssub.s32 s5, s29;
	s8 =	sshrl.u32 s8, $0x3;
	s13 =	sadd.s32 s30, s2  }
0xb: {  	s10 =	sadd.s32 s7, s6;
	s7 =	sadd.s32 s26, s6;
	s11 =	sadd.s32 s8, s6  }
0xc: {  	s6 =	sor.u32 $0x1C01, s31;
	s5 =	sadd.s32 $0x18600, s7;
	s7 =	sadd.s32 $0x4600, s10  }
0xd: {  	s8 =	sadd.s32 $0xE600, s10;
	s9 =	sadd.s32 $0x67800, s11;
	s10 =	smax.u32 s12, $0x1  }
0xe: {  	s11 =	sshrl.u32 s13, $0x3;
	s12 =	simm.s32 $0x1;
	s13 =	simm.s32 $0x2800  }
.LBB2_1:
0xf: {  	[spmem:s11], [sflag:s6] =	dma.local [hbm:s5], $0x2800  }
0x10: {  	_ =	swait.ge [sflag:s12], $0x2800  }
0x11: {  	[sflag:s12] =	ssyncset.done $0x0  }
0x12: {  	[sflag:s12] =	ssyncadd.s32 $0xFFFFD800  }
0x13: {  	[tilespmem:s3], [sflag:$0x1] =	stream.linear.gather [hbm4b:s7+s3], $0x2800, $0x38;
	[tilespmem:$0x1D000] =	vst v63  }
0x14: {  	_ =	swait.ge [sflag:s12], $0x2800  }
0x15: {  	[sflag:s12] =	ssyncset.done $0x0  }
0x16: {  	[sflag:s12] =	ssyncadd.s32 $0xFFFFD800  }
0x17: {  	[tilespmem:s13], [sflag:$0x1] =	stream.linear.gather [hbm4b:s8+s3], $0x2800, $0x38;
	[tilespmem:$0x1D000] =	vst v63  }
0x18: {  	_ =	swait.ge [sflag:s12], $0x2800  }
0x19: {  	[sflag:s12] =	ssyncset.done $0x0  }
0x1a: {  	[sflag:s12] =	ssyncadd.s32 $0xFFFFD800  }
0x1b: {  	s17 =	simm.s32 $0x0;
	[bflag:$0x0] =	sbarrier.arrive $0xFFFF  }
0x1c: {  	[tilespmem:s15], [sflag:$0x1] =	stream.indirect.gather [hbm4b:s4+s14], $0x80, s17, s14, $0xb8;
	[tilespmem:$0x1D000] =	vst v63  }
0x1d: {  	_ =	swait.ge [sflag:s12], $0x3E80  }
0x1e: {  	[sflag:s12] =	ssyncset.done $0x0  }
0x1f: {  	s31 =	simm.s32 $0x2800;
	[sflag:s12] =	ssyncadd.s32 $0xFFFFC180  }
0x20: {  	[spmem:s2] =	stream.indirect.scatter.add.f32 [tilespmem:s15], [sflag:$0x1], $0x80, s31, s14, $0xb8;
	[tilespmem:$0x1D000] =	vst v63  }
0x21: {  	_ =	swait.ge [sflag:s12], $0x3E80  }
0x22: {  	s18 =	simm.s32 $0x400;
	s17 =	simm.s32 $0x200;
	[sflag:s12] =	ssyncset.done $0x0  }
.LBB2_2:
0x23: {  	s19 =	sshra.s32 s17, $0x2  }
0x24: {  	[sflag:s12] =	ssyncadd.s32 $0xFFFFC180;
	s17 =	smov.u32 s18;
	s20 =	sadd.s32 $0x200, s18  }
0x25: {  	[tilespmem:s15], [sflag:$0x1] =	stream.indirect.gather [hbm4b:s4+s14], $0x80, s19, s14, $0xb8;
	[tilespmem:$0x1D000] =	vst v63  }
0x26: {  	p0 =	sne.s32 s18, $0x9E00;
	_ =	swait.ge [sflag:s12], $0x3E80  }
.Ltmp0:
0x27: {  	[sflag:s12] =	ssyncset.done $0x0;
	(pc) =	sbr.rel @p0 .LBB2_2-.Ltmp0, $4  }
0x28: {  	s18 =	sadd.s32 $0x2800, s19;
	[sflag:s12] =	ssyncadd.s32 $0xFFFFC180  }
0x29: {  	[spmem:s2] =	stream.indirect.scatter.add.f32 [tilespmem:s15], [sflag:$0x1], $0x80, s18, s14, $0xb8;
	[tilespmem:$0x1D000] =	vst v63  }
0x2a: {  	_ =	swait.ge [sflag:s12], $0x3E80  }
0x2b: {  	s18 =	smov.u32 s20;
	[sflag:s12] =	ssyncset.done $0x0  }
0x2c: {  	s17 =	sshra.s32 s17, $0x2;
	[sflag:s12] =	ssyncadd.s32 $0xFFFFC180  }
0x2d: {  	[tilespmem:s15], [sflag:$0x1] =	stream.indirect.gather [hbm4b:s4+s14], $0x80, s17, s14, $0xb8;
	[tilespmem:$0x1D000] =	vst v63  }
0x2e: {  	_ =	swait.ge [sflag:s12], $0x3E80  }
0x2f: {  	[sflag:s12] =	ssyncset.done $0x0  }
0x30: {  	s17 =	sadd.s32 $0x2800, s17;
	[sflag:s12] =	ssyncadd.s32 $0xFFFFC180  }
0x31: {  	[spmem:s2] =	stream.indirect.scatter.add.f32 [tilespmem:s15], [sflag:$0x1], $0x80, s17, s14, $0xb8;
	[tilespmem:$0x1D000] =	vst v63  }
0x32: {  	_ =	swait.ge [sflag:s12], $0x3E80  }
0x33: {  	s16 =	sadd.s32 $0x1, s16;
	[sflag:s12] =	ssyncset.done $0x0  }
0x34: {  	p0 =	sne.s32 s16, s10;
	[sflag:s12] =	ssyncadd.s32 $0xFFFFC180  }
.Ltmp1:
0x35: {  	[bflag:$0x0] =	sbarrier.arrive $0xFFFF;
	(pc) =	sbr.rel @p0 .LBB2_1-.Ltmp1, $4  }
0x36: {  	[hbm:s9], [sflag:s6] =	dma.local [spmem:s11], $0x2800  }
0x37: {  	_ =	swait.ge [sflag:s12], $0x2800  }
0x38: {  	[sflag:s12] =	ssyncset.done $0x0  }
0x39: {  	[sflag:s12] =	ssyncadd.s32 $0xFFFFD800  }
0x3a: {  	_ =	sfence.sel $0x180000  }
0x3b: {  	[bflag:$0x0] =	sbarrier.arrive $0xFFFF  }
0x3c: {  	p0 =	sne.s32 s0, $0x0;
	_ =	strace $0x90000050  }
0x3d: {  	s0 =	sadd.s32 @!p0 $0x100000, s1;
	[bflag:$0x2] =	sbarrier.arrive $0xFFFF  }
0x3e: {  	[sflag:s0] =	ssyncadd.tile.s32 @!p0 $0x1;
	_ =	shalt  }
.Lfunc_end2:
_tile_overlayer_lowered:
.L_overlay_start_2:
0x3f: {  	(tag) =	ssettag $0x2  }
0x40: {  	s0 =	rddreg [dreg:$0x0];
	s2 =	stileid.u32  }
0x41: {  	s1 =	rddreg [dreg:$0x1];
	p0 =	sne.s32 s2, $0x0  }
0x42: {  	s3 =	rddreg [dreg:$0x2];
	[bflag:$0x3] =	sbarrier.arrive $0xFFFF;
	s2 =	simm.s32 @!p0 $0x1C01  }
0x43: {  	[timem:s3], [sflag:s2] =	dma.local @!p0 [hbm:s0], s1  }
0x44: {  	s0 =	simm.s32 @!p0 $0x1  }
0x45: {  	_ =	swait.ge @!p0 [sflag:s0], s1  }
0x46: {  	s1 =	ssub.s32 @!p0 $0x0, s1;
	[sflag:s0] =	ssyncset.done @!p0 $0x0  }
0x47: {  	[sflag:s0] =	ssyncadd.s32 @!p0 s1  }
0x48: {  	[bflag:$0x3] =	sbarrier.arrive $0xFFFF  }
0x49: {  	_ =	shalt  }

</sc_bundles>
